<compile_context>
chip_gen: v7x
topology: tpu7x:2x2x1
jax: 0.10.2.dev20260603
libtpu: 0.0.44.dev20260713+nightly
codegen_flags: <defaults>
</compile_context>

<pallas_src>
import functools

import jax
import jax.numpy as jnp
from jax import lax
from jax.experimental import pallas as pl
from jax.experimental.pallas import tpu as pltpu
from jax.experimental.pallas import tpu_sc as plsc

HI = jax.lax.Precision.HIGHEST

N = 10000
E = 320000
NFEAT = 128
HDIM = 32
NGRAPH = 64

NW = 32
CH = 128
EPW = 10240
EP = NW * EPW
KCH = EPW // CH
NPAD = 10112
STRIPE = NPAD // 16
EPS = 1e-5


def _b16(a):
  return a.astype(jnp.bfloat16).astype(jnp.float32)


def _sc_edge_aggregate(feats, src_rows, dst_rows, zeros_pad, f):
  mesh = plsc.VectorSubcoreMesh(core_axis_name="c", subcore_axis_name="s")

  @functools.partial(
      pl.kernel,
      out_type=jax.ShapeDtypeStruct((2, NPAD, f), jnp.float32),
      mesh=mesh,
      compiler_params=pltpu.CompilerParams(use_tc_tiling_on_sc=False),
      scratch_types=[
          pltpu.VMEM((KCH, CH), jnp.int32),
          pltpu.VMEM((KCH, CH), jnp.int32),
          pltpu.VMEM((CH, f), jnp.float32),
          pltpu.VMEM_SHARED((NPAD, f), jnp.float32),
          pltpu.SemaphoreType.DMA,
      ],
  )
  def k(y_hbm, src_hbm, dst_hbm, z_hbm, out_hbm, idx_s, idx_d, gbuf, acc, gsem):
    c = lax.axis_index("c")
    s = lax.axis_index("s")
    wid = s * 2 + c
    pltpu.sync_copy(z_hbm.at[pl.ds(s * STRIPE, STRIPE)],
                    acc.at[pl.ds(s * STRIPE, STRIPE)])
    pltpu.sync_copy(src_hbm.at[pl.ds(wid * KCH, KCH)], idx_s)
    pltpu.sync_copy(dst_hbm.at[pl.ds(wid * KCH, KCH)], idx_d)
    plsc.subcore_barrier()

    def body(j, carry):
      pltpu.async_copy(y_hbm.at[idx_s.at[j]], gbuf, gsem).wait()
      pltpu.sync_copy(gbuf, acc.at[idx_d.at[j]], add=True)
      return carry

    lax.fori_loop(0, KCH, body, 0)
    plsc.subcore_barrier()
    pltpu.sync_copy(acc.at[pl.ds(s * STRIPE, STRIPE)],
                    out_hbm.at[c, pl.ds(s * STRIPE, STRIPE)])

  return k(feats, src_rows, dst_rows, zeros_pad)


def _tc_layer1(x, parts, w1a, b1a, w1b, b1b, g1, be1):

  def body(x_ref, p_ref, w1a_ref, b1a_ref, w1b_ref, b1b_ref, g1_ref,
           be1_ref, hbn_ref):
    z = x_ref[...] + p_ref[0, :N, :] + p_ref[1, :N, :]
    t = _b16(jnp.maximum(
        jnp.dot(z, w1a_ref[...], preferred_element_type=jnp.float32)
        + b1a_ref[...], 0.0))
    h1 = jnp.maximum(
        jnp.dot(t, w1b_ref[...], preferred_element_type=jnp.float32)
        + b1b_ref[...], 0.0)
    m = jnp.sum(h1, axis=0, keepdims=True) * (1.0 / N)
    v = jnp.sum((h1 - m) ** 2, axis=0, keepdims=True) * (1.0 / N)
    hbn_ref[...] = (h1 - m) / jnp.sqrt(v + EPS) * g1_ref[...] + be1_ref[...]

  return pl.pallas_call(
      body,
      out_shape=jax.ShapeDtypeStruct((N, HDIM), jnp.float32),
  )(x, parts, w1a, b1a, w1b, b1b, g1, be1)


def _tc_layer2(hbn, parts, w2a, b2a, w2b, b2b, g2, be2, batch_col,
               wf1, bf1, wf2, bf2):

  def body(h_ref, p_ref, w2a_ref, b2a_ref, w2b_ref, b2b_ref, g2_ref,
           be2_ref, bat_ref, wf1_ref, bf1_ref, wf2_ref, bf2_ref,
           emb_ref, sc_ref):
    z = h_ref[...] + p_ref[0, :N, :] + p_ref[1, :N, :]
    t = _b16(jnp.maximum(
        jnp.dot(z, w2a_ref[...], preferred_element_type=jnp.float32)
        + b2a_ref[...], 0.0))
    h2 = jnp.maximum(
        jnp.dot(t, w2b_ref[...], preferred_element_type=jnp.float32)
        + b2b_ref[...], 0.0)
    m = jnp.sum(h2, axis=0, keepdims=True) * (1.0 / N)
    v = jnp.sum((h2 - m) ** 2, axis=0, keepdims=True) * (1.0 / N)
    h2bn = (h2 - m) / jnp.sqrt(v + EPS) * g2_ref[...] + be2_ref[...]
    ids = lax.broadcasted_iota(jnp.int32, (N, NGRAPH), 1)
    oh = (ids == bat_ref[...]).astype(jnp.float32)
    pooled = lax.dot_general(oh, h2bn, (((0,), (0,)), ((), ())),
                             preferred_element_type=jnp.float32, precision=HI)
    e = jnp.maximum(
        jnp.dot(pooled, wf1_ref[...], preferred_element_type=jnp.float32, precision=HI)
        + bf1_ref[...], 0.0)
    emb_ref[...] = e
    sc_ref[...] = jnp.dot(e, wf2_ref[...],
                          preferred_element_type=jnp.float32, precision=HI) + bf2_ref[...]

  return pl.pallas_call(
      body,
      out_shape=(jax.ShapeDtypeStruct((NGRAPH, HDIM), jnp.float32),
                 jax.ShapeDtypeStruct((NGRAPH, 1), jnp.float32)),
  )(hbn, parts, w2a, b2a, w2b, b2b, g2, be2, batch_col, wf1, bf1, wf2, bf2)


def kernel(x, edge_index, batch, W1a, b1a, W1b, b1b, W2a, b2a, W2b, b2b,
           g1, be1, g2, be2, Wf1, bf1, Wf2, bf2):
  src = edge_index[0]
  dst = edge_index[1]
  pad = EP - E
  src_rows = jnp.concatenate(
      [src, jnp.zeros((pad,), jnp.int32)]).reshape(EP // CH, CH)
  dst_rows = jnp.concatenate(
      [dst, jnp.full((pad,), N, jnp.int32)]).reshape(EP // CH, CH)
  zeros_nf = jnp.zeros((NPAD, NFEAT), jnp.float32)
  zeros_h = jnp.zeros((NPAD, HDIM), jnp.float32)
  batch_col = batch.reshape(N, 1)
  r = lambda a: a.reshape(1, -1)

  parts1 = _sc_edge_aggregate(x, src_rows, dst_rows, zeros_nf, NFEAT)
  hbn = _tc_layer1(x, parts1, W1a, r(b1a), W1b, r(b1b), r(g1), r(be1))
  parts2 = _sc_edge_aggregate(hbn, src_rows, dst_rows, zeros_h, HDIM)
  emb, score = _tc_layer2(hbn, parts2, W2a, r(b2a), W2b, r(b2b), r(g2),
                          r(be2), batch_col, Wf1, r(bf1), Wf2, r(bf2))
  return (emb, score)

# --- scband reference (transcript-rebuilt; emitter-appended) ---
"""Pipeline reference for scband-model-52089363366196 (READ-ONLY COPY).

The authoritative reference and input builder live on the scoring server;
editing this copy changes nothing except your own understanding.
"""

import jax, jax.numpy as jnp
import numpy as np

N = 10000
E = 320000
NFEAT = 128
HDIM = 32
NGRAPH = 64


def setup_inputs(seed: int = 0) -> dict:
    key = jax.random.key(seed)
    ks = jax.random.split(key, 20)
    x = jax.random.normal(ks[0], (N, NFEAT), dtype=jnp.float32)
    edge_index = jax.random.randint(ks[1], (2, E), 0, N, dtype=jnp.int32)
    batch = jnp.sort(jax.random.randint(ks[2], (N,), 0, NGRAPH, dtype=jnp.int32))
    s = 0.05
    inp = {
        'x': x,
        'edge_index': edge_index,
        'batch': batch,
        'W1a': jax.random.normal(ks[3], (NFEAT, HDIM), dtype=jnp.float32) * s,
        'b1a': jnp.zeros((HDIM,), dtype=jnp.float32),
        'W1b': jax.random.normal(ks[4], (HDIM, HDIM), dtype=jnp.float32) * s,
        'b1b': jnp.zeros((HDIM,), dtype=jnp.float32),
        'W2a': jax.random.normal(ks[5], (HDIM, HDIM), dtype=jnp.float32) * s,
        'b2a': jnp.zeros((HDIM,), dtype=jnp.float32),
        'W2b': jax.random.normal(ks[6], (HDIM, HDIM), dtype=jnp.float32) * s,
        'b2b': jnp.zeros((HDIM,), dtype=jnp.float32),
        'g1': jnp.ones((HDIM,), dtype=jnp.float32),
        'be1': jnp.zeros((HDIM,), dtype=jnp.float32),
        'g2': jnp.ones((HDIM,), dtype=jnp.float32),
        'be2': jnp.zeros((HDIM,), dtype=jnp.float32),
        'Wf1': jax.random.normal(ks[7], (HDIM, HDIM), dtype=jnp.float32) * s,
        'bf1': jnp.zeros((HDIM,), dtype=jnp.float32),
        'Wf2': jax.random.normal(ks[8], (HDIM, 1), dtype=jnp.float32) * s,
        'bf2': jnp.zeros((1,), dtype=jnp.float32),
    }
    return inp


def _batchnorm(h, gamma, beta, eps=1e-5):
    m = jnp.mean(h, axis=0)
    v = jnp.var(h, axis=0)
    return (h - m) / jnp.sqrt(v + eps) * gamma + beta


def _gin_conv(h, src, dst, Wa, ba, Wb, bb):
    # GINConv with eps=0: out = nn(x + sum_{j in N(i)} x_j)
    msg = jnp.take(h, src, axis=0)
    agg = jax.ops.segment_sum(msg, dst, num_segments=h.shape[0])
    z = h + agg
    z = jnp.maximum(z @ Wa + ba, 0.0)
    return z @ Wb + bb


def reference(x, edge_index, batch, W1a, b1a, W1b, b1b, W2a, b2a, W2b, b2b,
              g1, be1, g2, be2, Wf1, bf1, Wf2, bf2):
    src = edge_index[0]
    dst = edge_index[1]
    h = jnp.maximum(_gin_conv(x, src, dst, W1a, b1a, W1b, b1b), 0.0)
    h = _batchnorm(h, g1, be1)
    h = jnp.maximum(_gin_conv(h, src, dst, W2a, b2a, W2b, b2b), 0.0)
    h = _batchnorm(h, g2, be2)
    pooled = jax.ops.segment_sum(h, batch, num_segments=NGRAPH)
    e = jnp.maximum(pooled @ Wf1 + bf1, 0.0)
    emb = e  # dropout omitted (eval / deterministic)
    score = e @ Wf2 + bf2
    return (emb, score)

if __name__ == "__main__":
    import jax
    _d = setup_inputs()
    print(jax.jit(kernel)(*tuple(_d.values())))

</pallas_src>

<mosaic_0001>
#map = affine_map<(d0, d1) -> (0, 0)>
#map1 = affine_map<(d0, d1) -> (0, 0, 0)>
module attributes {stable_mosaic.version = 14 : i64} {
  func.func @k(%arg0: i32, %arg1: i32, %arg2: memref<10000x128xf32, #tpu.memory_space<hbm>>, %arg3: memref<2560x128xi32, #tpu.memory_space<hbm>>, %arg4: memref<2560x128xi32, #tpu.memory_space<hbm>>, %arg5: memref<10112x128xf32, #tpu.memory_space<hbm>>, %arg6: memref<2x10112x128xf32, #tpu.memory_space<hbm>>, %arg7: memref<80x128xi32, #tpu.memory_space<vmem>>, %arg8: memref<80x128xi32, #tpu.memory_space<vmem>>, %arg9: memref<128x128xf32, #tpu.memory_space<vmem>>, %arg10: memref<10112x128xf32, #tpu.memory_space<vmem_shared>>, %arg11: memref<!tpu.dma_semaphore, #tpu.memory_space<semaphore_mem>>) attributes {dimension_semantics = [#tpu.dimension_semantics<core_parallel>, #tpu.dimension_semantics<subcore_parallel>], iteration_bounds = array<i64: 2, 16>, scalar_prefetch = 0 : i64, scratch_operands = 5 : i64, tpu.core_type = #tpu.core_type<sc_vector_subcore>, window_params = [{transform_indices = #map}, {transform_indices = #map}, {transform_indices = #map}, {transform_indices = #map}, {transform_indices = #map1}]} {
    %mul3A = arith.constant 2 : i32
    %mul3A_0 = arith.muli %arg1, %mul3A : i32
    %add3A = arith.addi %mul3A_0, %arg0 : i32
    %mul3A_1 = arith.constant 632 : i32
    %mul3A_2 = arith.muli %arg1, %mul3A_1 : i32
    %mul3A_3 = arith.constant 632 : i32
    %mul3A_4 = arith.muli %arg1, %mul3A_3 : i32
    "tpu.region"() ({
      %run_scoped3A = tpu.sem_alloc : memref<!tpu.dma_semaphore, #tpu.memory_space<semaphore_mem>>
      %dma_start3A = arith.constant 0 : i32
      %dma_start3A_19 = tpu.memref_slice %arg10[%mul3A_4, %dma_start3A] : memref<10112x128xf32, #tpu.memory_space<vmem_shared>> -> memref<632x128xf32, #tpu.memory_space<vmem_shared>>
      %dma_start3A_20 = arith.constant 0 : i32
      %dma_start3A_21 = tpu.memref_slice %arg5[%mul3A_2, %dma_start3A_20] : memref<10112x128xf32, #tpu.memory_space<hbm>> -> memref<632x128xf32, #tpu.memory_space<hbm>>
      tpu.enqueue_dma source(%dma_start3A_21 : memref<632x128xf32, #tpu.memory_space<hbm>>) target(%dma_start3A_19 : memref<632x128xf32, #tpu.memory_space<vmem_shared>>) target_semaphore(%run_scoped3A : memref<!tpu.dma_semaphore, #tpu.memory_space<semaphore_mem>>)
      %dma_wait3A = arith.constant 0 : i32
      %dma_wait3A_22 = tpu.memref_slice %arg10[%mul3A_4, %dma_wait3A] : memref<10112x128xf32, #tpu.memory_space<vmem_shared>> -> memref<632x128xf32, #tpu.memory_space<vmem_shared>>
      %dma_wait3A_23 = arith.constant 0 : i32
      %dma_wait3A_24 = tpu.memref_slice %arg5[%mul3A_2, %dma_wait3A_23] : memref<10112x128xf32, #tpu.memory_space<hbm>> -> memref<632x128xf32, #tpu.memory_space<hbm>>
      tpu.wait_dma2 semaphore(%run_scoped3A : memref<!tpu.dma_semaphore, #tpu.memory_space<semaphore_mem>>) src(%dma_wait3A_24 : memref<632x128xf32, #tpu.memory_space<hbm>>) dst(%dma_wait3A_22 : memref<632x128xf32, #tpu.memory_space<vmem_shared>>)
      tpu.yield
    }) : () -> ()
    %mul3A_5 = arith.constant 80 : i32
    %mul3A_6 = arith.muli %add3A, %mul3A_5 : i32
    "tpu.region"() ({
      %run_scoped3A = tpu.sem_alloc : memref<!tpu.dma_semaphore, #tpu.memory_space<semaphore_mem>>
      %dma_start3A = arith.constant 0 : i32
      %dma_start3A_19 = tpu.memref_slice %arg3[%mul3A_6, %dma_start3A] : memref<2560x128xi32, #tpu.memory_space<hbm>> -> memref<80x128xi32, #tpu.memory_space<hbm>>
      %dma_start3A_20 = arith.constant 0 : i32
      %dma_start3A_21 = tpu.memref_slice %arg3[%mul3A_6, %dma_start3A_20] : memref<2560x128xi32, #tpu.memory_space<hbm>> -> memref<80x128xi32, #tpu.memory_space<hbm>>
      tpu.enqueue_dma source(%dma_start3A_21 : memref<80x128xi32, #tpu.memory_space<hbm>>) target(%arg7 : memref<80x128xi32, #tpu.memory_space<vmem>>) target_semaphore(%run_scoped3A : memref<!tpu.dma_semaphore, #tpu.memory_space<semaphore_mem>>)
      %dma_wait3A = arith.constant 0 : i32
      %dma_wait3A_22 = tpu.memref_slice %arg3[%mul3A_6, %dma_wait3A] : memref<2560x128xi32, #tpu.memory_space<hbm>> -> memref<80x128xi32, #tpu.memory_space<hbm>>
      %dma_wait3A_23 = arith.constant 0 : i32
      %dma_wait3A_24 = tpu.memref_slice %arg3[%mul3A_6, %dma_wait3A_23] : memref<2560x128xi32, #tpu.memory_space<hbm>> -> memref<80x128xi32, #tpu.memory_space<hbm>>
      tpu.wait_dma2 semaphore(%run_scoped3A : memref<!tpu.dma_semaphore, #tpu.memory_space<semaphore_mem>>) src(%dma_wait3A_24 : memref<80x128xi32, #tpu.memory_space<hbm>>) dst(%arg7 : memref<80x128xi32, #tpu.memory_space<vmem>>)
      tpu.yield
    }) : () -> ()
    %mul3A_7 = arith.constant 80 : i32
    %mul3A_8 = arith.muli %add3A, %mul3A_7 : i32
    "tpu.region"() ({
      %run_scoped3A = tpu.sem_alloc : memref<!tpu.dma_semaphore, #tpu.memory_space<semaphore_mem>>
      %dma_start3A = arith.constant 0 : i32
      %dma_start3A_19 = tpu.memref_slice %arg4[%mul3A_8, %dma_start3A] : memref<2560x128xi32, #tpu.memory_space<hbm>> -> memref<80x128xi32, #tpu.memory_space<hbm>>
      %dma_start3A_20 = arith.constant 0 : i32
      %dma_start3A_21 = tpu.memref_slice %arg4[%mul3A_8, %dma_start3A_20] : memref<2560x128xi32, #tpu.memory_space<hbm>> -> memref<80x128xi32, #tpu.memory_space<hbm>>
      tpu.enqueue_dma source(%dma_start3A_21 : memref<80x128xi32, #tpu.memory_space<hbm>>) target(%arg8 : memref<80x128xi32, #tpu.memory_space<vmem>>) target_semaphore(%run_scoped3A : memref<!tpu.dma_semaphore, #tpu.memory_space<semaphore_mem>>)
      %dma_wait3A = arith.constant 0 : i32
      %dma_wait3A_22 = tpu.memref_slice %arg4[%mul3A_8, %dma_wait3A] : memref<2560x128xi32, #tpu.memory_space<hbm>> -> memref<80x128xi32, #tpu.memory_space<hbm>>
      %dma_wait3A_23 = arith.constant 0 : i32
      %dma_wait3A_24 = tpu.memref_slice %arg4[%mul3A_8, %dma_wait3A_23] : memref<2560x128xi32, #tpu.memory_space<hbm>> -> memref<80x128xi32, #tpu.memory_space<hbm>>
      tpu.wait_dma2 semaphore(%run_scoped3A : memref<!tpu.dma_semaphore, #tpu.memory_space<semaphore_mem>>) src(%dma_wait3A_24 : memref<80x128xi32, #tpu.memory_space<hbm>>) dst(%arg8 : memref<80x128xi32, #tpu.memory_space<vmem>>)
      tpu.yield
    }) : () -> ()
    %barrier3A = arith.constant 0 : index
    tpu.barrier barrier_id(%barrier3A)
    %scan3A = arith.constant 0 : i32
    %scan3A_9 = arith.constant 0 : i32
    %scan3A_10 = arith.constant 80 : i32
    %scan3A_11 = arith.addi %scan3A_9, %scan3A_10 : i32
    %scan3A_12 = arith.constant 1 : i32
    scf.for %scan3A_19 = %scan3A_9 to %scan3A_11 step %scan3A_12  : i32 {
      %dma_start3A = arith.constant 0 : i32
      %dma_start3A_20 = tpu.memref_slice %arg7[%scan3A_19, %dma_start3A] : memref<80x128xi32, #tpu.memory_space<vmem>> -> memref<1x128xi32, #tpu.memory_space<vmem>>
      %dma_start3A_21 = tpu.memref_squeeze %dma_start3A_20 : memref<1x128xi32, #tpu.memory_space<vmem>> -> memref<128xi32, #tpu.memory_space<vmem>>
      %dma_start3A_22 = arith.constant 0 : i32
      %dma_start3A_23 = arith.constant 0 : i32
      %dma_start3A_24 = tpu.memref_slice %arg2[%dma_start3A_22, %dma_start3A_23] : memref<10000x128xf32, #tpu.memory_space<hbm>> -> memref<10000x128xf32, #tpu.memory_space<hbm>>
      tpu.enqueue_indirect_dma source(%dma_start3A_24 : memref<10000x128xf32, #tpu.memory_space<hbm>>) target(%arg9 : memref<128x128xf32, #tpu.memory_space<vmem>>) offsets(%dma_start3A_21 : memref<128xi32, #tpu.memory_space<vmem>>) semaphore(%arg11 : memref<!tpu.dma_semaphore, #tpu.memory_space<semaphore_mem>>)
      %dma_wait3A = arith.constant 0 : i32
      %dma_wait3A_25 = tpu.memref_slice %arg7[%scan3A_19, %dma_wait3A] : memref<80x128xi32, #tpu.memory_space<vmem>> -> memref<1x128xi32, #tpu.memory_space<vmem>>
      %dma_wait3A_26 = tpu.memref_squeeze %dma_wait3A_25 : memref<1x128xi32, #tpu.memory_space<vmem>> -> memref<128xi32, #tpu.memory_space<vmem>>
      %dma_wait3A_27 = arith.constant 0 : i32
      %dma_wait3A_28 = arith.constant 0 : i32
      %dma_wait3A_29 = tpu.memref_slice %arg2[%dma_wait3A_27, %dma_wait3A_28] : memref<10000x128xf32, #tpu.memory_space<hbm>> -> memref<10000x128xf32, #tpu.memory_space<hbm>>
      tpu.wait_indirect_dma semaphore(%arg11 : memref<!tpu.dma_semaphore, #tpu.memory_space<semaphore_mem>>) src(%dma_wait3A_29 : memref<10000x128xf32, #tpu.memory_space<hbm>>) dst(%arg9 : memref<128x128xf32, #tpu.memory_space<vmem>>)
      "tpu.region"() ({
        %run_scoped3A = tpu.sem_alloc : memref<!tpu.dma_semaphore, #tpu.memory_space<semaphore_mem>>
        %dma_start3A_30 = arith.constant 0 : i32
        %dma_start3A_31 = tpu.memref_slice %arg8[%scan3A_19, %dma_start3A_30] : memref<80x128xi32, #tpu.memory_space<vmem>> -> memref<1x128xi32, #tpu.memory_space<vmem>>
        %dma_start3A_32 = tpu.memref_squeeze %dma_start3A_31 : memref<1x128xi32, #tpu.memory_space<vmem>> -> memref<128xi32, #tpu.memory_space<vmem>>
        %dma_start3A_33 = arith.constant 0 : i32
        %dma_start3A_34 = arith.constant 0 : i32
        %dma_start3A_35 = tpu.memref_slice %arg10[%dma_start3A_33, %dma_start3A_34] : memref<10112x128xf32, #tpu.memory_space<vmem_shared>> -> memref<10112x128xf32, #tpu.memory_space<vmem_shared>>
        tpu.enqueue_indirect_dma source(%arg9 : memref<128x128xf32, #tpu.memory_space<vmem>>) target(%dma_start3A_35 : memref<10112x128xf32, #tpu.memory_space<vmem_shared>>) offsets(%dma_start3A_32 : memref<128xi32, #tpu.memory_space<vmem>>) semaphore(%run_scoped3A : memref<!tpu.dma_semaphore, #tpu.memory_space<semaphore_mem>>) {add = true}
        %dma_wait3A_36 = arith.constant 0 : i32
        %dma_wait3A_37 = tpu.memref_slice %arg8[%scan3A_19, %dma_wait3A_36] : memref<80x128xi32, #tpu.memory_space<vmem>> -> memref<1x128xi32, #tpu.memory_space<vmem>>
        %dma_wait3A_38 = tpu.memref_squeeze %dma_wait3A_37 : memref<1x128xi32, #tpu.memory_space<vmem>> -> memref<128xi32, #tpu.memory_space<vmem>>
        %dma_wait3A_39 = arith.constant 0 : i32
        %dma_wait3A_40 = arith.constant 0 : i32
        %dma_wait3A_41 = tpu.memref_slice %arg10[%dma_wait3A_39, %dma_wait3A_40] : memref<10112x128xf32, #tpu.memory_space<vmem_shared>> -> memref<10112x128xf32, #tpu.memory_space<vmem_shared>>
        tpu.wait_indirect_dma semaphore(%run_scoped3A : memref<!tpu.dma_semaphore, #tpu.memory_space<semaphore_mem>>) src(%arg9 : memref<128x128xf32, #tpu.memory_space<vmem>>) dst(%dma_wait3A_41 : memref<10112x128xf32, #tpu.memory_space<vmem_shared>>)
        tpu.yield
      }) : () -> ()
    }
    %scan3A_13 = arith.constant 80 : i32
    %barrier3A_14 = arith.constant 0 : index
    tpu.barrier barrier_id(%barrier3A_14)
    %mul3A_15 = arith.constant 632 : i32
    %mul3A_16 = arith.muli %arg1, %mul3A_15 : i32
    %mul3A_17 = arith.constant 632 : i32
    %mul3A_18 = arith.muli %arg1, %mul3A_17 : i32
    "tpu.region"() ({
      %run_scoped3A = tpu.sem_alloc : memref<!tpu.dma_semaphore, #tpu.memory_space<semaphore_mem>>
      %dma_start3A = arith.constant 0 : i32
      %dma_start3A_19 = tpu.memref_slice %arg6[%arg0, %mul3A_18, %dma_start3A] : memref<2x10112x128xf32, #tpu.memory_space<hbm>> -> memref<1x632x128xf32, #tpu.memory_space<hbm>>
      %dma_start3A_20 = tpu.memref_squeeze %dma_start3A_19 : memref<1x632x128xf32, #tpu.memory_space<hbm>> -> memref<632x128xf32, #tpu.memory_space<hbm>>
      %dma_start3A_21 = arith.constant 0 : i32
      %dma_start3A_22 = tpu.memref_slice %arg10[%mul3A_16, %dma_start3A_21] : memref<10112x128xf32, #tpu.memory_space<vmem_shared>> -> memref<632x128xf32, #tpu.memory_space<vmem_shared>>
      tpu.enqueue_dma source(%dma_start3A_22 : memref<632x128xf32, #tpu.memory_space<vmem_shared>>) target(%dma_start3A_20 : memref<632x128xf32, #tpu.memory_space<hbm>>) target_semaphore(%run_scoped3A : memref<!tpu.dma_semaphore, #tpu.memory_space<semaphore_mem>>)
      %dma_wait3A = arith.constant 0 : i32
      %dma_wait3A_23 = tpu.memref_slice %arg6[%arg0, %mul3A_18, %dma_wait3A] : memref<2x10112x128xf32, #tpu.memory_space<hbm>> -> memref<1x632x128xf32, #tpu.memory_space<hbm>>
      %dma_wait3A_24 = tpu.memref_squeeze %dma_wait3A_23 : memref<1x632x128xf32, #tpu.memory_space<hbm>> -> memref<632x128xf32, #tpu.memory_space<hbm>>
      %dma_wait3A_25 = arith.constant 0 : i32
      %dma_wait3A_26 = tpu.memref_slice %arg10[%mul3A_16, %dma_wait3A_25] : memref<10112x128xf32, #tpu.memory_space<vmem_shared>> -> memref<632x128xf32, #tpu.memory_space<vmem_shared>>
      tpu.wait_dma2 semaphore(%run_scoped3A : memref<!tpu.dma_semaphore, #tpu.memory_space<semaphore_mem>>) src(%dma_wait3A_26 : memref<632x128xf32, #tpu.memory_space<vmem_shared>>) dst(%dma_wait3A_24 : memref<632x128xf32, #tpu.memory_space<hbm>>)
      tpu.yield
    }) : () -> ()
    return
  }
}

#map = affine_map<(d0, d1) -> (0, 0)>
#map1 = affine_map<(d0, d1) -> (0, 0, 0)>
module attributes {stable_mosaic.version = 14 : i64} {
  func.func @k(%arg0: i32, %arg1: i32, %arg2: memref<10000x32xf32, #tpu.memory_space<hbm>>, %arg3: memref<2560x128xi32, #tpu.memory_space<hbm>>, %arg4: memref<2560x128xi32, #tpu.memory_space<hbm>>, %arg5: memref<10112x32xf32, #tpu.memory_space<hbm>>, %arg6: memref<2x10112x32xf32, #tpu.memory_space<hbm>>, %arg7: memref<80x128xi32, #tpu.memory_space<vmem>>, %arg8: memref<80x128xi32, #tpu.memory_space<vmem>>, %arg9: memref<128x32xf32, #tpu.memory_space<vmem>>, %arg10: memref<10112x32xf32, #tpu.memory_space<vmem_shared>>, %arg11: memref<!tpu.dma_semaphore, #tpu.memory_space<semaphore_mem>>) attributes {dimension_semantics = [#tpu.dimension_semantics<core_parallel>, #tpu.dimension_semantics<subcore_parallel>], iteration_bounds = array<i64: 2, 16>, scalar_prefetch = 0 : i64, scratch_operands = 5 : i64, tpu.core_type = #tpu.core_type<sc_vector_subcore>, window_params = [{transform_indices = #map}, {transform_indices = #map}, {transform_indices = #map}, {transform_indices = #map}, {transform_indices = #map1}]} {
    %mul3A = arith.constant 2 : i32
    %mul3A_0 = arith.muli %arg1, %mul3A : i32
    %add3A = arith.addi %mul3A_0, %arg0 : i32
    %mul3A_1 = arith.constant 632 : i32
    %mul3A_2 = arith.muli %arg1, %mul3A_1 : i32
    %mul3A_3 = arith.constant 632 : i32
    %mul3A_4 = arith.muli %arg1, %mul3A_3 : i32
    "tpu.region"() ({
      %run_scoped3A = tpu.sem_alloc : memref<!tpu.dma_semaphore, #tpu.memory_space<semaphore_mem>>
      %dma_start3A = arith.constant 0 : i32
      %dma_start3A_19 = tpu.memref_slice %arg10[%mul3A_4, %dma_start3A] : memref<10112x32xf32, #tpu.memory_space<vmem_shared>> -> memref<632x32xf32, #tpu.memory_space<vmem_shared>>
      %dma_start3A_20 = arith.constant 0 : i32
      %dma_start3A_21 = tpu.memref_slice %arg5[%mul3A_2, %dma_start3A_20] : memref<10112x32xf32, #tpu.memory_space<hbm>> -> memref<632x32xf32, #tpu.memory_space<hbm>>
      tpu.enqueue_dma source(%dma_start3A_21 : memref<632x32xf32, #tpu.memory_space<hbm>>) target(%dma_start3A_19 : memref<632x32xf32, #tpu.memory_space<vmem_shared>>) target_semaphore(%run_scoped3A : memref<!tpu.dma_semaphore, #tpu.memory_space<semaphore_mem>>)
      %dma_wait3A = arith.constant 0 : i32
      %dma_wait3A_22 = tpu.memref_slice %arg10[%mul3A_4, %dma_wait3A] : memref<10112x32xf32, #tpu.memory_space<vmem_shared>> -> memref<632x32xf32, #tpu.memory_space<vmem_shared>>
      %dma_wait3A_23 = arith.constant 0 : i32
      %dma_wait3A_24 = tpu.memref_slice %arg5[%mul3A_2, %dma_wait3A_23] : memref<10112x32xf32, #tpu.memory_space<hbm>> -> memref<632x32xf32, #tpu.memory_space<hbm>>
      tpu.wait_dma2 semaphore(%run_scoped3A : memref<!tpu.dma_semaphore, #tpu.memory_space<semaphore_mem>>) src(%dma_wait3A_24 : memref<632x32xf32, #tpu.memory_space<hbm>>) dst(%dma_wait3A_22 : memref<632x32xf32, #tpu.memory_space<vmem_shared>>)
      tpu.yield
    }) : () -> ()
    %mul3A_5 = arith.constant 80 : i32
    %mul3A_6 = arith.muli %add3A, %mul3A_5 : i32
    "tpu.region"() ({
      %run_scoped3A = tpu.sem_alloc : memref<!tpu.dma_semaphore, #tpu.memory_space<semaphore_mem>>
      %dma_start3A = arith.constant 0 : i32
      %dma_start3A_19 = tpu.memref_slice %arg3[%mul3A_6, %dma_start3A] : memref<2560x128xi32, #tpu.memory_space<hbm>> -> memref<80x128xi32, #tpu.memory_space<hbm>>
      %dma_start3A_20 = arith.constant 0 : i32
      %dma_start3A_21 = tpu.memref_slice %arg3[%mul3A_6, %dma_start3A_20] : memref<2560x128xi32, #tpu.memory_space<hbm>> -> memref<80x128xi32, #tpu.memory_space<hbm>>
      tpu.enqueue_dma source(%dma_start3A_21 : memref<80x128xi32, #tpu.memory_space<hbm>>) target(%arg7 : memref<80x128xi32, #tpu.memory_space<vmem>>) target_semaphore(%run_scoped3A : memref<!tpu.dma_semaphore, #tpu.memory_space<semaphore_mem>>)
      %dma_wait3A = arith.constant 0 : i32
      %dma_wait3A_22 = tpu.memref_slice %arg3[%mul3A_6, %dma_wait3A] : memref<2560x128xi32, #tpu.memory_space<hbm>> -> memref<80x128xi32, #tpu.memory_space<hbm>>
      %dma_wait3A_23 = arith.constant 0 : i32
      %dma_wait3A_24 = tpu.memref_slice %arg3[%mul3A_6, %dma_wait3A_23] : memref<2560x128xi32, #tpu.memory_space<hbm>> -> memref<80x128xi32, #tpu.memory_space<hbm>>
      tpu.wait_dma2 semaphore(%run_scoped3A : memref<!tpu.dma_semaphore, #tpu.memory_space<semaphore_mem>>) src(%dma_wait3A_24 : memref<80x128xi32, #tpu.memory_space<hbm>>) dst(%arg7 : memref<80x128xi32, #tpu.memory_space<vmem>>)
      tpu.yield
    }) : () -> ()
    %mul3A_7 = arith.constant 80 : i32
    %mul3A_8 = arith.muli %add3A, %mul3A_7 : i32
    "tpu.region"() ({
      %run_scoped3A = tpu.sem_alloc : memref<!tpu.dma_semaphore, #tpu.memory_space<semaphore_mem>>
      %dma_start3A = arith.constant 0 : i32
      %dma_start3A_19 = tpu.memref_slice %arg4[%mul3A_8, %dma_start3A] : memref<2560x128xi32, #tpu.memory_space<hbm>> -> memref<80x128xi32, #tpu.memory_space<hbm>>
      %dma_start3A_20 = arith.constant 0 : i32
      %dma_start3A_21 = tpu.memref_slice %arg4[%mul3A_8, %dma_start3A_20] : memref<2560x128xi32, #tpu.memory_space<hbm>> -> memref<80x128xi32, #tpu.memory_space<hbm>>
      tpu.enqueue_dma source(%dma_start3A_21 : memref<80x128xi32, #tpu.memory_space<hbm>>) target(%arg8 : memref<80x128xi32, #tpu.memory_space<vmem>>) target_semaphore(%run_scoped3A : memref<!tpu.dma_semaphore, #tpu.memory_space<semaphore_mem>>)
      %dma_wait3A = arith.constant 0 : i32
      %dma_wait3A_22 = tpu.memref_slice %arg4[%mul3A_8, %dma_wait3A] : memref<2560x128xi32, #tpu.memory_space<hbm>> -> memref<80x128xi32, #tpu.memory_space<hbm>>
      %dma_wait3A_23 = arith.constant 0 : i32
      %dma_wait3A_24 = tpu.memref_slice %arg4[%mul3A_8, %dma_wait3A_23] : memref<2560x128xi32, #tpu.memory_space<hbm>> -> memref<80x128xi32, #tpu.memory_space<hbm>>
      tpu.wait_dma2 semaphore(%run_scoped3A : memref<!tpu.dma_semaphore, #tpu.memory_space<semaphore_mem>>) src(%dma_wait3A_24 : memref<80x128xi32, #tpu.memory_space<hbm>>) dst(%arg8 : memref<80x128xi32, #tpu.memory_space<vmem>>)
      tpu.yield
    }) : () -> ()
    %barrier3A = arith.constant 0 : index
    tpu.barrier barrier_id(%barrier3A)
    %scan3A = arith.constant 0 : i32
    %scan3A_9 = arith.constant 0 : i32
    %scan3A_10 = arith.constant 80 : i32
    %scan3A_11 = arith.addi %scan3A_9, %scan3A_10 : i32
    %scan3A_12 = arith.constant 1 : i32
    scf.for %scan3A_19 = %scan3A_9 to %scan3A_11 step %scan3A_12  : i32 {
      %dma_start3A = arith.constant 0 : i32
      %dma_start3A_20 = tpu.memref_slice %arg7[%scan3A_19, %dma_start3A] : memref<80x128xi32, #tpu.memory_space<vmem>> -> memref<1x128xi32, #tpu.memory_space<vmem>>
      %dma_start3A_21 = tpu.memref_squeeze %dma_start3A_20 : memref<1x128xi32, #tpu.memory_space<vmem>> -> memref<128xi32, #tpu.memory_space<vmem>>
      %dma_start3A_22 = arith.constant 0 : i32
      %dma_start3A_23 = arith.constant 0 : i32
      %dma_start3A_24 = tpu.memref_slice %arg2[%dma_start3A_22, %dma_start3A_23] : memref<10000x32xf32, #tpu.memory_space<hbm>> -> memref<10000x32xf32, #tpu.memory_space<hbm>>
      tpu.enqueue_indirect_dma source(%dma_start3A_24 : memref<10000x32xf32, #tpu.memory_space<hbm>>) target(%arg9 : memref<128x32xf32, #tpu.memory_space<vmem>>) offsets(%dma_start3A_21 : memref<128xi32, #tpu.memory_space<vmem>>) semaphore(%arg11 : memref<!tpu.dma_semaphore, #tpu.memory_space<semaphore_mem>>)
      %dma_wait3A = arith.constant 0 : i32
      %dma_wait3A_25 = tpu.memref_slice %arg7[%scan3A_19, %dma_wait3A] : memref<80x128xi32, #tpu.memory_space<vmem>> -> memref<1x128xi32, #tpu.memory_space<vmem>>
      %dma_wait3A_26 = tpu.memref_squeeze %dma_wait3A_25 : memref<1x128xi32, #tpu.memory_space<vmem>> -> memref<128xi32, #tpu.memory_space<vmem>>
      %dma_wait3A_27 = arith.constant 0 : i32
      %dma_wait3A_28 = arith.constant 0 : i32
      %dma_wait3A_29 = tpu.memref_slice %arg2[%dma_wait3A_27, %dma_wait3A_28] : memref<10000x32xf32, #tpu.memory_space<hbm>> -> memref<10000x32xf32, #tpu.memory_space<hbm>>
      tpu.wait_indirect_dma semaphore(%arg11 : memref<!tpu.dma_semaphore, #tpu.memory_space<semaphore_mem>>) src(%dma_wait3A_29 : memref<10000x32xf32, #tpu.memory_space<hbm>>) dst(%arg9 : memref<128x32xf32, #tpu.memory_space<vmem>>)
      "tpu.region"() ({
        %run_scoped3A = tpu.sem_alloc : memref<!tpu.dma_semaphore, #tpu.memory_space<semaphore_mem>>
        %dma_start3A_30 = arith.constant 0 : i32
        %dma_start3A_31 = tpu.memref_slice %arg8[%scan3A_19, %dma_start3A_30] : memref<80x128xi32, #tpu.memory_space<vmem>> -> memref<1x128xi32, #tpu.memory_space<vmem>>
        %dma_start3A_32 = tpu.memref_squeeze %dma_start3A_31 : memref<1x128xi32, #tpu.memory_space<vmem>> -> memref<128xi32, #tpu.memory_space<vmem>>
        %dma_start3A_33 = arith.constant 0 : i32
        %dma_start3A_34 = arith.constant 0 : i32
        %dma_start3A_35 = tpu.memref_slice %arg10[%dma_start3A_33, %dma_start3A_34] : memref<10112x32xf32, #tpu.memory_space<vmem_shared>> -> memref<10112x32xf32, #tpu.memory_space<vmem_shared>>
        tpu.enqueue_indirect_dma source(%arg9 : memref<128x32xf32, #tpu.memory_space<vmem>>) target(%dma_start3A_35 : memref<10112x32xf32, #tpu.memory_space<vmem_shared>>) offsets(%dma_start3A_32 : memref<128xi32, #tpu.memory_space<vmem>>) semaphore(%run_scoped3A : memref<!tpu.dma_semaphore, #tpu.memory_space<semaphore_mem>>) {add = true}
        %dma_wait3A_36 = arith.constant 0 : i32
        %dma_wait3A_37 = tpu.memref_slice %arg8[%scan3A_19, %dma_wait3A_36] : memref<80x128xi32, #tpu.memory_space<vmem>> -> memref<1x128xi32, #tpu.memory_space<vmem>>
        %dma_wait3A_38 = tpu.memref_squeeze %dma_wait3A_37 : memref<1x128xi32, #tpu.memory_space<vmem>> -> memref<128xi32, #tpu.memory_space<vmem>>
        %dma_wait3A_39 = arith.constant 0 : i32
        %dma_wait3A_40 = arith.constant 0 : i32
        %dma_wait3A_41 = tpu.memref_slice %arg10[%dma_wait3A_39, %dma_wait3A_40] : memref<10112x32xf32, #tpu.memory_space<vmem_shared>> -> memref<10112x32xf32, #tpu.memory_space<vmem_shared>>
        tpu.wait_indirect_dma semaphore(%run_scoped3A : memref<!tpu.dma_semaphore, #tpu.memory_space<semaphore_mem>>) src(%arg9 : memref<128x32xf32, #tpu.memory_space<vmem>>) dst(%dma_wait3A_41 : memref<10112x32xf32, #tpu.memory_space<vmem_shared>>)
        tpu.yield
      }) : () -> ()
    }
    %scan3A_13 = arith.constant 80 : i32
    %barrier3A_14 = arith.constant 0 : index
    tpu.barrier barrier_id(%barrier3A_14)
    %mul3A_15 = arith.constant 632 : i32
    %mul3A_16 = arith.muli %arg1, %mul3A_15 : i32
    %mul3A_17 = arith.constant 632 : i32
    %mul3A_18 = arith.muli %arg1, %mul3A_17 : i32
    "tpu.region"() ({
      %run_scoped3A = tpu.sem_alloc : memref<!tpu.dma_semaphore, #tpu.memory_space<semaphore_mem>>
      %dma_start3A = arith.constant 0 : i32
      %dma_start3A_19 = tpu.memref_slice %arg6[%arg0, %mul3A_18, %dma_start3A] : memref<2x10112x32xf32, #tpu.memory_space<hbm>> -> memref<1x632x32xf32, #tpu.memory_space<hbm>>
      %dma_start3A_20 = tpu.memref_squeeze %dma_start3A_19 : memref<1x632x32xf32, #tpu.memory_space<hbm>> -> memref<632x32xf32, #tpu.memory_space<hbm>>
      %dma_start3A_21 = arith.constant 0 : i32
      %dma_start3A_22 = tpu.memref_slice %arg10[%mul3A_16, %dma_start3A_21] : memref<10112x32xf32, #tpu.memory_space<vmem_shared>> -> memref<632x32xf32, #tpu.memory_space<vmem_shared>>
      tpu.enqueue_dma source(%dma_start3A_22 : memref<632x32xf32, #tpu.memory_space<vmem_shared>>) target(%dma_start3A_20 : memref<632x32xf32, #tpu.memory_space<hbm>>) target_semaphore(%run_scoped3A : memref<!tpu.dma_semaphore, #tpu.memory_space<semaphore_mem>>)
      %dma_wait3A = arith.constant 0 : i32
      %dma_wait3A_23 = tpu.memref_slice %arg6[%arg0, %mul3A_18, %dma_wait3A] : memref<2x10112x32xf32, #tpu.memory_space<hbm>> -> memref<1x632x32xf32, #tpu.memory_space<hbm>>
      %dma_wait3A_24 = tpu.memref_squeeze %dma_wait3A_23 : memref<1x632x32xf32, #tpu.memory_space<hbm>> -> memref<632x32xf32, #tpu.memory_space<hbm>>
      %dma_wait3A_25 = arith.constant 0 : i32
      %dma_wait3A_26 = tpu.memref_slice %arg10[%mul3A_16, %dma_wait3A_25] : memref<10112x32xf32, #tpu.memory_space<vmem_shared>> -> memref<632x32xf32, #tpu.memory_space<vmem_shared>>
      tpu.wait_dma2 semaphore(%run_scoped3A : memref<!tpu.dma_semaphore, #tpu.memory_space<semaphore_mem>>) src(%dma_wait3A_26 : memref<632x32xf32, #tpu.memory_space<vmem_shared>>) dst(%dma_wait3A_24 : memref<632x32xf32, #tpu.memory_space<hbm>>)
      tpu.yield
    }) : () -> ()
    return
  }
}

module attributes {stable_mosaic.version = 14 : i64} {
  func.func @body(%arg0: memref<10000x128xf32, #tpu.memory_space<vmem>>, %arg1: memref<2x10112x128xf32, #tpu.memory_space<vmem>>, %arg2: memref<128x32xf32, #tpu.memory_space<vmem>>, %arg3: memref<1x32xf32, #tpu.memory_space<vmem>>, %arg4: memref<32x32xf32, #tpu.memory_space<vmem>>, %arg5: memref<1x32xf32, #tpu.memory_space<vmem>>, %arg6: memref<1x32xf32, #tpu.memory_space<vmem>>, %arg7: memref<1x32xf32, #tpu.memory_space<vmem>>, %arg8: memref<10000x32xf32, #tpu.memory_space<vmem>>) attributes {dimension_semantics = [], scalar_prefetch = 0 : i64, scratch_operands = 0 : i64, tpu.core_type = #tpu.core_type<tc>} {
    %get3A = arith.constant 0 : index
    %get3A_0 = arith.constant 0 : index
    %get3A_1 = vector.load %arg0[%get3A, %get3A_0] : memref<10000x128xf32, #tpu.memory_space<vmem>>, vector<10000x128xf32>
    %get3A_2 = arith.constant 0 : index
    %get3A_3 = arith.constant 0 : index
    %get3A_4 = arith.constant 0 : index
    %get3A_5 = vector.load %arg1[%get3A_2, %get3A_3, %get3A_4] : memref<2x10112x128xf32, #tpu.memory_space<vmem>>, vector<1x10000x128xf32>
    %get3A_6 = vector.shape_cast %get3A_5 : vector<1x10000x128xf32> to vector<10000x128xf32>
    %add3A = arith.addf %get3A_1, %get3A_6 : vector<10000x128xf32>
    %get3A_7 = arith.constant 1 : index
    %get3A_8 = arith.constant 0 : index
    %get3A_9 = arith.constant 0 : index
    %get3A_10 = vector.load %arg1[%get3A_7, %get3A_8, %get3A_9] : memref<2x10112x128xf32, #tpu.memory_space<vmem>>, vector<1x10000x128xf32>
    %get3A_11 = vector.shape_cast %get3A_10 : vector<1x10000x128xf32> to vector<10000x128xf32>
    %add3A_12 = arith.addf %add3A, %get3A_11 : vector<10000x128xf32>
    %get3A_13 = arith.constant 0 : index
    %get3A_14 = arith.constant 0 : index
    %get3A_15 = vector.load %arg2[%get3A_13, %get3A_14] : memref<128x32xf32, #tpu.memory_space<vmem>>, vector<128x32xf32>
    %dot_general3A = arith.constant dense<0.000000e+00> : vector<10000x32xf32>
    %dot_general3A_16 = tpu.matmul %add3A_12, %get3A_15, %dot_general3A {dimension_numbers = #tpu.dot_dimension_numbers<[1], [0], [0], [1], [0, 0, 1, 1], [], []>, transpose_lhs_hint = false} : vector<10000x128xf32>, vector<128x32xf32>, vector<10000x32xf32> -> vector<10000x32xf32>
    %get3A_17 = arith.constant 0 : index
    %get3A_18 = arith.constant 0 : index
    %get3A_19 = vector.load %arg3[%get3A_17, %get3A_18] : memref<1x32xf32, #tpu.memory_space<vmem>>, vector<1x32xf32>
    %add3A_20 = vector.broadcast %get3A_19 : vector<1x32xf32> to vector<10000x32xf32>
    %add3A_21 = arith.addf %dot_general3A_16, %add3A_20 : vector<10000x32xf32>
    %max3A = arith.constant 0.000000e+00 : f32
    %max3A_22 = vector.broadcast %max3A : f32 to vector<10000x32xf32>
    %max3A_23 = arith.maximumf %add3A_21, %max3A_22 : vector<10000x32xf32>
    %convert_element_type3A = arith.truncf %max3A_23 : vector<10000x32xf32> to vector<10000x32xbf16>
    %convert_element_type3A_24 = arith.extf %convert_element_type3A : vector<10000x32xbf16> to vector<10000x32xf32>
    %get3A_25 = arith.constant 0 : index
    %get3A_26 = arith.constant 0 : index
    %get3A_27 = vector.load %arg4[%get3A_25, %get3A_26] : memref<32x32xf32, #tpu.memory_space<vmem>>, vector<32x32xf32>
    %dot_general3A_28 = arith.constant dense<0.000000e+00> : vector<10000x32xf32>
    %dot_general3A_29 = tpu.matmul %convert_element_type3A_24, %get3A_27, %dot_general3A_28 {dimension_numbers = #tpu.dot_dimension_numbers<[1], [0], [0], [1], [0, 0, 1, 1], [], []>, transpose_lhs_hint = false} : vector<10000x32xf32>, vector<32x32xf32>, vector<10000x32xf32> -> vector<10000x32xf32>
    %get3A_30 = arith.constant 0 : index
    %get3A_31 = arith.constant 0 : index
    %get3A_32 = vector.load %arg5[%get3A_30, %get3A_31] : memref<1x32xf32, #tpu.memory_space<vmem>>, vector<1x32xf32>
    %add3A_33 = vector.broadcast %get3A_32 : vector<1x32xf32> to vector<10000x32xf32>
    %add3A_34 = arith.addf %dot_general3A_29, %add3A_33 : vector<10000x32xf32>
    %max3A_35 = arith.constant 0.000000e+00 : f32
    %max3A_36 = vector.broadcast %max3A_35 : f32 to vector<10000x32xf32>
    %max3A_37 = arith.maximumf %add3A_34, %max3A_36 : vector<10000x32xf32>
    %reduce_sum3A = arith.constant dense<0.000000e+00> : vector<32xf32>
    %reduce_sum3A_38 = vector.multi_reduction <add>, %max3A_37, %reduce_sum3A [0] : vector<10000x32xf32> to vector<32xf32>
    %broadcast_in_dim3A = vector.shape_cast %reduce_sum3A_38 : vector<32xf32> to vector<1x32xf32>
    %mul3A = arith.constant 9.99999974E-5 : f32
    %mul3A_39 = vector.broadcast %mul3A : f32 to vector<1x32xf32>
    %mul3A_40 = arith.mulf %broadcast_in_dim3A, %mul3A_39 : vector<1x32xf32>
    %sub3A = vector.broadcast %mul3A_40 : vector<1x32xf32> to vector<10000x32xf32>
    %sub3A_41 = arith.subf %max3A_37, %sub3A : vector<10000x32xf32>
    %integer_pow3A = arith.mulf %sub3A_41, %sub3A_41 : vector<10000x32xf32>
    %reduce_sum3A_42 = arith.constant dense<0.000000e+00> : vector<32xf32>
    %reduce_sum3A_43 = vector.multi_reduction <add>, %integer_pow3A, %reduce_sum3A_42 [0] : vector<10000x32xf32> to vector<32xf32>
    %broadcast_in_dim3A_44 = vector.shape_cast %reduce_sum3A_43 : vector<32xf32> to vector<1x32xf32>
    %mul3A_45 = arith.constant 9.99999974E-5 : f32
    %mul3A_46 = vector.broadcast %mul3A_45 : f32 to vector<1x32xf32>
    %mul3A_47 = arith.mulf %broadcast_in_dim3A_44, %mul3A_46 : vector<1x32xf32>
    %sub3A_48 = vector.broadcast %mul3A_40 : vector<1x32xf32> to vector<10000x32xf32>
    %sub3A_49 = arith.subf %max3A_37, %sub3A_48 : vector<10000x32xf32>
    %add3A_50 = arith.constant 9.99999974E-6 : f32
    %add3A_51 = vector.broadcast %add3A_50 : f32 to vector<1x32xf32>
    %add3A_52 = arith.addf %mul3A_47, %add3A_51 : vector<1x32xf32>
    %sqrt3A = math.sqrt %add3A_52 : vector<1x32xf32>
    %div3A = vector.broadcast %sqrt3A : vector<1x32xf32> to vector<10000x32xf32>
    %div3A_53 = arith.divf %sub3A_49, %div3A : vector<10000x32xf32>
    %get3A_54 = arith.constant 0 : index
    %get3A_55 = arith.constant 0 : index
    %get3A_56 = vector.load %arg6[%get3A_54, %get3A_55] : memref<1x32xf32, #tpu.memory_space<vmem>>, vector<1x32xf32>
    %mul3A_57 = vector.broadcast %get3A_56 : vector<1x32xf32> to vector<10000x32xf32>
    %mul3A_58 = arith.mulf %div3A_53, %mul3A_57 : vector<10000x32xf32>
    %get3A_59 = arith.constant 0 : index
    %get3A_60 = arith.constant 0 : index
    %get3A_61 = vector.load %arg7[%get3A_59, %get3A_60] : memref<1x32xf32, #tpu.memory_space<vmem>>, vector<1x32xf32>
    %add3A_62 = vector.broadcast %get3A_61 : vector<1x32xf32> to vector<10000x32xf32>
    %add3A_63 = arith.addf %mul3A_58, %add3A_62 : vector<10000x32xf32>
    %swap3A = arith.constant 0 : index
    %swap3A_64 = arith.constant 0 : index
    %swap3A_65 = vector.load %arg8[%swap3A, %swap3A_64] : memref<10000x32xf32, #tpu.memory_space<vmem>>, vector<10000x32xf32>
    tpu.vector_store %arg8[%swap3A, %swap3A_64], %add3A_63 {strides = array<i32>} : memref<10000x32xf32, #tpu.memory_space<vmem>>, vector<10000x32xf32>,
    return
  }
}

module attributes {stable_mosaic.version = 14 : i64} {
  func.func @body(%arg0: memref<10000x32xf32, #tpu.memory_space<vmem>>, %arg1: memref<2x10112x32xf32, #tpu.memory_space<vmem>>, %arg2: memref<32x32xf32, #tpu.memory_space<vmem>>, %arg3: memref<1x32xf32, #tpu.memory_space<vmem>>, %arg4: memref<32x32xf32, #tpu.memory_space<vmem>>, %arg5: memref<1x32xf32, #tpu.memory_space<vmem>>, %arg6: memref<1x32xf32, #tpu.memory_space<vmem>>, %arg7: memref<1x32xf32, #tpu.memory_space<vmem>>, %arg8: memref<10000x1xi32, #tpu.memory_space<vmem>>, %arg9: memref<32x32xf32, #tpu.memory_space<vmem>>, %arg10: memref<1x32xf32, #tpu.memory_space<vmem>>, %arg11: memref<32x1xf32, #tpu.memory_space<vmem>>, %arg12: memref<1x1xf32, #tpu.memory_space<vmem>>, %arg13: memref<64x32xf32, #tpu.memory_space<vmem>>, %arg14: memref<64x1xf32, #tpu.memory_space<vmem>>) attributes {dimension_semantics = [], scalar_prefetch = 0 : i64, scratch_operands = 0 : i64, tpu.core_type = #tpu.core_type<tc>} {
    %get3A = arith.constant 0 : index
    %get3A_0 = arith.constant 0 : index
    %get3A_1 = vector.load %arg0[%get3A, %get3A_0] : memref<10000x32xf32, #tpu.memory_space<vmem>>, vector<10000x32xf32>
    %get3A_2 = arith.constant 0 : index
    %get3A_3 = arith.constant 0 : index
    %get3A_4 = arith.constant 0 : index
    %get3A_5 = vector.load %arg1[%get3A_2, %get3A_3, %get3A_4] : memref<2x10112x32xf32, #tpu.memory_space<vmem>>, vector<1x10000x32xf32>
    %get3A_6 = vector.shape_cast %get3A_5 : vector<1x10000x32xf32> to vector<10000x32xf32>
    %add3A = arith.addf %get3A_1, %get3A_6 : vector<10000x32xf32>
    %get3A_7 = arith.constant 1 : index
    %get3A_8 = arith.constant 0 : index
    %get3A_9 = arith.constant 0 : index
    %get3A_10 = vector.load %arg1[%get3A_7, %get3A_8, %get3A_9] : memref<2x10112x32xf32, #tpu.memory_space<vmem>>, vector<1x10000x32xf32>
    %get3A_11 = vector.shape_cast %get3A_10 : vector<1x10000x32xf32> to vector<10000x32xf32>
    %add3A_12 = arith.addf %add3A, %get3A_11 : vector<10000x32xf32>
    %get3A_13 = arith.constant 0 : index
    %get3A_14 = arith.constant 0 : index
    %get3A_15 = vector.load %arg2[%get3A_13, %get3A_14] : memref<32x32xf32, #tpu.memory_space<vmem>>, vector<32x32xf32>
    %dot_general3A = arith.constant dense<0.000000e+00> : vector<10000x32xf32>
    %dot_general3A_16 = tpu.matmul %add3A_12, %get3A_15, %dot_general3A {dimension_numbers = #tpu.dot_dimension_numbers<[1], [0], [0], [1], [0, 0, 1, 1], [], []>, transpose_lhs_hint = false} : vector<10000x32xf32>, vector<32x32xf32>, vector<10000x32xf32> -> vector<10000x32xf32>
    %get3A_17 = arith.constant 0 : index
    %get3A_18 = arith.constant 0 : index
    %get3A_19 = vector.load %arg3[%get3A_17, %get3A_18] : memref<1x32xf32, #tpu.memory_space<vmem>>, vector<1x32xf32>
    %add3A_20 = vector.broadcast %get3A_19 : vector<1x32xf32> to vector<10000x32xf32>
    %add3A_21 = arith.addf %dot_general3A_16, %add3A_20 : vector<10000x32xf32>
    %max3A = arith.constant 0.000000e+00 : f32
    %max3A_22 = vector.broadcast %max3A : f32 to vector<10000x32xf32>
    %max3A_23 = arith.maximumf %add3A_21, %max3A_22 : vector<10000x32xf32>
    %convert_element_type3A = arith.truncf %max3A_23 : vector<10000x32xf32> to vector<10000x32xbf16>
    %convert_element_type3A_24 = arith.extf %convert_element_type3A : vector<10000x32xbf16> to vector<10000x32xf32>
    %get3A_25 = arith.constant 0 : index
    %get3A_26 = arith.constant 0 : index
    %get3A_27 = vector.load %arg4[%get3A_25, %get3A_26] : memref<32x32xf32, #tpu.memory_space<vmem>>, vector<32x32xf32>
    %dot_general3A_28 = arith.constant dense<0.000000e+00> : vector<10000x32xf32>
    %dot_general3A_29 = tpu.matmul %convert_element_type3A_24, %get3A_27, %dot_general3A_28 {dimension_numbers = #tpu.dot_dimension_numbers<[1], [0], [0], [1], [0, 0, 1, 1], [], []>, transpose_lhs_hint = false} : vector<10000x32xf32>, vector<32x32xf32>, vector<10000x32xf32> -> vector<10000x32xf32>
    %get3A_30 = arith.constant 0 : index
    %get3A_31 = arith.constant 0 : index
    %get3A_32 = vector.load %arg5[%get3A_30, %get3A_31] : memref<1x32xf32, #tpu.memory_space<vmem>>, vector<1x32xf32>
    %add3A_33 = vector.broadcast %get3A_32 : vector<1x32xf32> to vector<10000x32xf32>
    %add3A_34 = arith.addf %dot_general3A_29, %add3A_33 : vector<10000x32xf32>
    %max3A_35 = arith.constant 0.000000e+00 : f32
    %max3A_36 = vector.broadcast %max3A_35 : f32 to vector<10000x32xf32>
    %max3A_37 = arith.maximumf %add3A_34, %max3A_36 : vector<10000x32xf32>
    %reduce_sum3A = arith.constant dense<0.000000e+00> : vector<32xf32>
    %reduce_sum3A_38 = vector.multi_reduction <add>, %max3A_37, %reduce_sum3A [0] : vector<10000x32xf32> to vector<32xf32>
    %broadcast_in_dim3A = vector.shape_cast %reduce_sum3A_38 : vector<32xf32> to vector<1x32xf32>
    %mul3A = arith.constant 9.99999974E-5 : f32
    %mul3A_39 = vector.broadcast %mul3A : f32 to vector<1x32xf32>
    %mul3A_40 = arith.mulf %broadcast_in_dim3A, %mul3A_39 : vector<1x32xf32>
    %sub3A = vector.broadcast %mul3A_40 : vector<1x32xf32> to vector<10000x32xf32>
    %sub3A_41 = arith.subf %max3A_37, %sub3A : vector<10000x32xf32>
    %integer_pow3A = arith.mulf %sub3A_41, %sub3A_41 : vector<10000x32xf32>
    %reduce_sum3A_42 = arith.constant dense<0.000000e+00> : vector<32xf32>
    %reduce_sum3A_43 = vector.multi_reduction <add>, %integer_pow3A, %reduce_sum3A_42 [0] : vector<10000x32xf32> to vector<32xf32>
    %broadcast_in_dim3A_44 = vector.shape_cast %reduce_sum3A_43 : vector<32xf32> to vector<1x32xf32>
    %mul3A_45 = arith.constant 9.99999974E-5 : f32
    %mul3A_46 = vector.broadcast %mul3A_45 : f32 to vector<1x32xf32>
    %mul3A_47 = arith.mulf %broadcast_in_dim3A_44, %mul3A_46 : vector<1x32xf32>
    %sub3A_48 = vector.broadcast %mul3A_40 : vector<1x32xf32> to vector<10000x32xf32>
    %sub3A_49 = arith.subf %max3A_37, %sub3A_48 : vector<10000x32xf32>
    %add3A_50 = arith.constant 9.99999974E-6 : f32
    %add3A_51 = vector.broadcast %add3A_50 : f32 to vector<1x32xf32>
    %add3A_52 = arith.addf %mul3A_47, %add3A_51 : vector<1x32xf32>
    %sqrt3A = math.sqrt %add3A_52 : vector<1x32xf32>
    %div3A = vector.broadcast %sqrt3A : vector<1x32xf32> to vector<10000x32xf32>
    %div3A_53 = arith.divf %sub3A_49, %div3A : vector<10000x32xf32>
    %get3A_54 = arith.constant 0 : index
    %get3A_55 = arith.constant 0 : index
    %get3A_56 = vector.load %arg6[%get3A_54, %get3A_55] : memref<1x32xf32, #tpu.memory_space<vmem>>, vector<1x32xf32>
    %mul3A_57 = vector.broadcast %get3A_56 : vector<1x32xf32> to vector<10000x32xf32>
    %mul3A_58 = arith.mulf %div3A_53, %mul3A_57 : vector<10000x32xf32>
    %get3A_59 = arith.constant 0 : index
    %get3A_60 = arith.constant 0 : index
    %get3A_61 = vector.load %arg7[%get3A_59, %get3A_60] : memref<1x32xf32, #tpu.memory_space<vmem>>, vector<1x32xf32>
    %add3A_62 = vector.broadcast %get3A_61 : vector<1x32xf32> to vector<10000x32xf32>
    %add3A_63 = arith.addf %mul3A_58, %add3A_62 : vector<10000x32xf32>
    %iota3A = tpu.iota {dimensions = array<i32: 1>} : vector<10000x64xi32>
    %get3A_64 = arith.constant 0 : index
    %get3A_65 = arith.constant 0 : index
    %get3A_66 = vector.load %arg8[%get3A_64, %get3A_65] : memref<10000x1xi32, #tpu.memory_space<vmem>>, vector<10000x1xi32>
    %eq3A = vector.broadcast %get3A_66 : vector<10000x1xi32> to vector<10000x64xi32>
    %eq3A_67 = arith.cmpi eq, %iota3A, %eq3A : vector<10000x64xi32>
    %convert_element_type3A_68 = arith.extui %eq3A_67 : vector<10000x64xi1> to vector<10000x64xi32>
    %convert_element_type3A_69 = arith.sitofp %convert_element_type3A_68 : vector<10000x64xi32> to vector<10000x64xf32>
    %dot_general3A_70 = arith.constant dense<0.000000e+00> : vector<64x32xf32>
    %dot_general3A_71 = tpu.matmul %convert_element_type3A_69, %add3A_63, %dot_general3A_70 {dimension_numbers = #tpu.dot_dimension_numbers<[0], [0], [1], [1], [0, 1, 1, 1], [], []>, precision = #tpu.contract_precision<fp32>, transpose_lhs_hint = false} : vector<10000x64xf32>, vector<10000x32xf32>, vector<64x32xf32> -> vector<64x32xf32>
    %get3A_72 = arith.constant 0 : index
    %get3A_73 = arith.constant 0 : index
    %get3A_74 = vector.load %arg9[%get3A_72, %get3A_73] : memref<32x32xf32, #tpu.memory_space<vmem>>, vector<32x32xf32>
    %dot_general3A_75 = arith.constant dense<0.000000e+00> : vector<64x32xf32>
    %dot_general3A_76 = tpu.matmul %dot_general3A_71, %get3A_74, %dot_general3A_75 {dimension_numbers = #tpu.dot_dimension_numbers<[1], [0], [0], [1], [0, 0, 1, 1], [], []>, precision = #tpu.contract_precision<fp32>, transpose_lhs_hint = false} : vector<64x32xf32>, vector<32x32xf32>, vector<64x32xf32> -> vector<64x32xf32>
    %get3A_77 = arith.constant 0 : index
    %get3A_78 = arith.constant 0 : index
    %get3A_79 = vector.load %arg10[%get3A_77, %get3A_78] : memref<1x32xf32, #tpu.memory_space<vmem>>, vector<1x32xf32>
    %add3A_80 = vector.broadcast %get3A_79 : vector<1x32xf32> to vector<64x32xf32>
    %add3A_81 = arith.addf %dot_general3A_76, %add3A_80 : vector<64x32xf32>
    %max3A_82 = arith.constant 0.000000e+00 : f32
    %max3A_83 = vector.broadcast %max3A_82 : f32 to vector<64x32xf32>
    %max3A_84 = arith.maximumf %add3A_81, %max3A_83 : vector<64x32xf32>
    %swap3A = arith.constant 0 : index
    %swap3A_85 = arith.constant 0 : index
    %swap3A_86 = vector.load %arg13[%swap3A, %swap3A_85] : memref<64x32xf32, #tpu.memory_space<vmem>>, vector<64x32xf32>
    tpu.vector_store %arg13[%swap3A, %swap3A_85], %max3A_84 {strides = array<i32>} : memref<64x32xf32, #tpu.memory_space<vmem>>, vector<64x32xf32>,
    %get3A_87 = arith.constant 0 : index
    %get3A_88 = arith.constant 0 : index
    %get3A_89 = vector.load %arg11[%get3A_87, %get3A_88] : memref<32x1xf32, #tpu.memory_space<vmem>>, vector<32x1xf32>
    %dot_general3A_90 = arith.constant dense<0.000000e+00> : vector<64x1xf32>
    %dot_general3A_91 = tpu.matmul %max3A_84, %get3A_89, %dot_general3A_90 {dimension_numbers = #tpu.dot_dimension_numbers<[1], [0], [0], [1], [0, 0, 1, 1], [], []>, precision = #tpu.contract_precision<fp32>, transpose_lhs_hint = false} : vector<64x32xf32>, vector<32x1xf32>, vector<64x1xf32> -> vector<64x1xf32>
    %get3A_92 = arith.constant 0 : index
    %get3A_93 = arith.constant 0 : index
    %get3A_94 = vector.load %arg12[%get3A_92, %get3A_93] : memref<1x1xf32, #tpu.memory_space<vmem>>, vector<1x1xf32>
    %add3A_95 = vector.broadcast %get3A_94 : vector<1x1xf32> to vector<64x1xf32>
    %add3A_96 = arith.addf %dot_general3A_91, %add3A_95 : vector<64x1xf32>
    %swap3A_97 = arith.constant 0 : index
    %swap3A_98 = arith.constant 0 : index
    %swap3A_99 = vector.load %arg14[%swap3A_97, %swap3A_98] : memref<64x1xf32, #tpu.memory_space<vmem>>, vector<64x1xf32>
    tpu.vector_store %arg14[%swap3A_97, %swap3A_98], %add3A_96 {strides = array<i32>} : memref<64x1xf32, #tpu.memory_space<vmem>>, vector<64x1xf32>,
    return
  }
}

</mosaic_0001>

<sc_bundles>
// kernel: kernel.6.cloned.1.call-start
scs
__scs_entry_jumppad:
0x0: {  	(pc) =	sbr.rel $0x88, $3  }
0x1: {  	(tag) =	ssettag $0x0;
	lr =	simm.s32 $0x1  }
0x2: {  	[smem:$0x3F8E] =	sst lr;
	_ =	strace $0xD0000000  }
0x3: {  	_ = 	snop  }
0x4: {  	_ = 	snop  }
0x5: {  	_ = 	snop  }
0x6: {  	_ = 	snop  }
0x7: {  	_ = 	snop  }
__scs_overlays_trampoline_lowered:
0x8: {  	[smem:$0x3F9D] =	sst s0  }
0x9: {  	[smem:$0x3F9E] =	sst s1  }
0xa: {  	[smem:$0x3F9F] =	sst s2  }
0xb: {  	[smem:$0x3FA0] =	sst s3  }
0xc: {  	[smem:$0x3FA1] =	sst s4  }
0xd: {  	[smem:$0x3FA2] =	sst s5  }
0xe: {  	[smem:$0x3FA3] =	sst s6  }
0xf: {  	[smem:$0x3FA4] =	sst s7  }
0x10: {  	[smem:$0x3FA5] =	sst s8  }
0x11: {  	[smem:$0x3FA6] =	sst s9;
	s0 =	simm.s32 @!p0 $0x0  }
0x12: {  	s1 =	sld [smem:$0x3F8C];
	s0 =	simm.s32 @p0 $0x1  }
0x13: {  	[smem:$0x3FA7] =	sst s0;
	s0 =	simm.s32 @!p1 $0x0  }
0x14: {  	s2 =	sld [smem:$0x3F8B];
	s0 =	simm.s32 @p1 $0x1  }
0x15: {  	[smem:$0x3FA8] =	sst s0;
	s0 =	simm.s32 @!p2 $0x0  }
0x16: {  	s3 =	sld [smem:$0x3FDB];
	s0 =	simm.s32 @p2 $0x1  }
0x17: {  	s4 =	simm.s32 $0x1BF5;
	[smem:$0x3FAA] =	sst s0  }
0x18: {  	s0 =	sld [smem:$0x3F8D];
	_ =	swait.ge [sflag:s4], $0x0  }
0x19: {  	s7 =	sld [smem:$0x3F8E]  }
0x1a: {  	s8 =	sadd.s32 $0xFFFFE003, lr  }
0x1b: {  	s9 =	sadd.s32 $0xFFFFFEF7, lr;
	s5 =	simm.s32 $0xFFFFFFFF;
	p2 =	slt.u32 s8, $0xFFFFF086  }
0x1c: {  	p1 =	slt.u32 s9, $0xF7A;
	s5 =	simm.s32 @!p2 $0x0  }
0x1d: {  	s5 =	simm.s32 @p1 $0x1;
	p0 =	seq.s32 s7, s2  }
0x1e: {  	s7 =	smul.u32 @!p0 $0xF7A, s2;
	p2 =	seq.s32 @!p0 s5, $0x0  }
0x1f: {  	s9 =	smul.u32 $0xF7A, s1;
	s8 =	simm.s32 @!p0 $0x1BF5;
	p2 =	por !p2, p0  }
0x20: {  	[sflag:s8] =	ssyncset.s32 @!p0 $0xFFFFF086;
	s6 =	sadd.s32 @!p0 s3, s7;
	s7 =	simm.s32 @!p0 $0x108  }
0x21: {  	s3 =	sadd.s32 s3, s9;
	s6 =	sadd.s32 @!p0 $0x88, s6;
	s7 =	simm.s32 @p2 $0x1082  }
0x22: {  	[simem:s7], [sflag:s8] =	dma.local @!p0 [hbm:s6], $0xF7A  }
0x23: {  	s9 =	sor.u32 $0xD0000000, s2;
	s6 =	simm.s32 $0x108;
	_ =	swait.ge @!p0 [sflag:s8], $0x0  }
0x24: {  	s3 =	sadd.s32 $0x88, s3;
	s6 =	simm.s32 @!p1 $0x1082;
	[sflag:s4] =	ssyncset.s32 $0xFFFFF086  }
0x25: {  	[simem:s6], [sflag:s4] =	dma.local [hbm:s3], $0xF7A  }
0x26: {  	[smem:$0x3F8E] =	sst s1;
	(tag) =	ssettag s2;
	_ =	strace s9  }
0x27: {  	s1 =	sld [smem:$0x3F9E]  }
0x28: {  	s2 =	sld [smem:$0x3F9F]  }
0x29: {  	s4 =	sld [smem:$0x3FA1]  }
0x2a: {  	p0 =	seq.s32 s5, $0x0;
	s5 =	sld [smem:$0x3FA2]  }
0x2b: {  	s6 =	sld [smem:$0x3FA3]  }
0x2c: {  	s7 =	sld [smem:$0x3FA4]  }
0x2d: {  	s3 =	simm.s32 $0x108;
	s8 =	sld [smem:$0x3FA5]  }
0x2e: {  	s3 =	simm.s32 @!p0 $0x1082;
	s9 =	sld [smem:$0x3FA6]  }
0x2f: {  	lr =	sadd.s32 s0, s3;
	s0 =	sld [smem:$0x3F9D]  }
0x30: {  	s3 =	sld [smem:$0x3FA0]  }
0x31: {  	[smem:$0x3FA9] =	sst s10  }
0x32: {  	s10 =	sld [smem:$0x3FA7];
	_ =	sdelay $0x3  }
0x33: {  	p0 =	seq.s32 s10, $0x1;
	s10 =	sld [smem:$0x3FA9];
	_ =	sdelay $0x3  }
0x34: {  	[smem:$0x3FA9] =	sst s10  }
0x35: {  	s10 =	sld [smem:$0x3FA8];
	_ =	sdelay $0x3  }
0x36: {  	p1 =	seq.s32 s10, $0x1;
	s10 =	sld [smem:$0x3FA9];
	_ =	sdelay $0x3  }
0x37: {  	[smem:$0x3FA9] =	sst s10  }
0x38: {  	s10 =	sld [smem:$0x3FAA]  }
0x39: {  	_ = 	snop;
	(pc) =	sbr.ind lr, $3  }
0x3a: {  	_ = 	snop  }
0x3b: {  	_ = 	snop  }
0x3c: {  	p2 =	seq.s32 s10, $0x1;
	s10 =	sld [smem:$0x3FA9]  }
0x3d: {  	_ =	shalt  }
0x3e: {  	_ =	shalt  }
0x3f: {  	_ =	shalt  }
0x40: {  	_ =	shalt  }
0x41: {  	_ =	shalt  }
0x42: {  	_ =	shalt  }
0x43: {  	_ =	shalt  }
0x44: {  	_ =	shalt  }
0x45: {  	_ =	shalt  }
0x46: {  	_ =	shalt  }
0x47: {  	_ =	shalt  }
0x48: {  	_ =	shalt  }
0x49: {  	_ =	shalt  }
0x4a: {  	_ =	shalt  }
0x4b: {  	_ =	shalt  }
0x4c: {  	_ =	shalt  }
0x4d: {  	_ =	shalt  }
0x4e: {  	_ =	shalt  }
0x4f: {  	_ =	shalt  }
0x50: {  	_ =	shalt  }
0x51: {  	_ =	shalt  }
0x52: {  	_ =	shalt  }
0x53: {  	_ =	shalt  }
0x54: {  	_ =	shalt  }
0x55: {  	_ =	shalt  }
0x56: {  	_ =	shalt  }
0x57: {  	_ =	shalt  }
0x58: {  	_ =	shalt  }
0x59: {  	_ =	shalt  }
0x5a: {  	_ =	shalt  }
0x5b: {  	_ =	shalt  }
0x5c: {  	_ =	shalt  }
0x5d: {  	_ =	shalt  }
0x5e: {  	_ =	shalt  }
0x5f: {  	_ =	shalt  }
0x60: {  	_ =	shalt  }
0x61: {  	_ =	shalt  }
0x62: {  	_ =	shalt  }
0x63: {  	_ =	shalt  }
0x64: {  	_ =	shalt  }
0x65: {  	_ =	shalt  }
0x66: {  	_ =	shalt  }
0x67: {  	_ =	shalt  }
0x68: {  	_ =	shalt  }
0x69: {  	_ =	shalt  }
0x6a: {  	_ =	shalt  }
0x6b: {  	_ =	shalt  }
0x6c: {  	_ =	shalt  }
0x6d: {  	_ =	shalt  }
0x6e: {  	_ =	shalt  }
0x6f: {  	_ =	shalt  }
0x70: {  	_ =	shalt  }
0x71: {  	_ =	shalt  }
0x72: {  	_ =	shalt  }
0x73: {  	_ =	shalt  }
0x74: {  	_ =	shalt  }
0x75: {  	_ =	shalt  }
0x76: {  	_ =	shalt  }
0x77: {  	_ =	shalt  }
0x78: {  	_ =	shalt  }
0x79: {  	_ =	shalt  }
0x7a: {  	_ =	shalt  }
0x7b: {  	_ =	shalt  }
0x7c: {  	_ =	shalt  }
0x7d: {  	_ =	shalt  }
0x7e: {  	_ =	shalt  }
0x7f: {  	_ =	shalt  }
0x80: {  	_ =	shalt  }
0x81: {  	_ =	shalt  }
0x82: {  	_ =	shalt  }
0x83: {  	_ =	shalt  }
0x84: {  	_ =	shalt  }
0x85: {  	_ =	shalt  }
0x86: {  	_ =	shalt  }
0x87: {  	_ =	shalt  }
.Lfunc_end0:
.L_simem_size_0:
called_computation_lowered:
.L_overlay_start_0:
0x88: {  	s2 =	sld [smem:$0x3FD9]  }
0x89: {  	s3 =	sld [smem:$0x3FFE];
	_ =	sdelay $0x1  }
0x8a: {  	s1 =	srdreg.scid  }
0x8b: {  	s0 =	sand.u32 $0x1, s1  }
0x8c: {  	s17 =	sshll.u32 s0, $0xA;
	s2 =	sadd.s32 s3, s2  }
0x8d: {  	s2 =	sadd.s32 s2, s17  }
0x8e: {  	[smem:$0x3FB5] =	sst s2  }
0x8f: {  	_ = 	snop  }
0x90: {  	s2 =	sld [smem:$0x3FC9];
	(tm) =	ssettm $0x1  }
0x91: {  	s18 =	sld [smem:$0x3FFB];
	_ =	sdelay $0x3  }
0x92: {  	_ =	strace s18  }
0x93: {  	s3 =	sld [smem:$0x3FFC];
	_ =	sdelay $0x3  }
0x94: {  	_ =	strace s3  }
0x95: {  	s3 =	sld [smem:$0x3FFD];
	_ =	sdelay $0x3  }
0x96: {  	_ =	strace s3  }
0x97: {  	_ =	strace $0x8FFFFFFF  }
0x98: {  	s19 =	sld [smem:$0x3FDB];
	_ =	sdelay $0x1  }
0x99: {  	s4 =	simm.s32 $_scs_section_size  }
0x9a: {  	s5 =	simm.s32 $_size__tile_overlayer_lowered;
	s6 =	simm.s32 $_tile_overlayer_lowered  }
0x9b: {  	s22 =	simm.s32 $0x1BFF;
	s21 =	sshll.u32 s6, $0x1;
	s3 =	sadd.s32 s4, s19  }
0x9c: {  	s7 =	simm.s32 $0x0;
	s20 =	sshll.u32 s5, $0x1;
	s5 =	sadd.s32 s21, s3  }
0x9d: {  	[timem:s7], [sflag:s22] =	dma.local [hbm:s5], s20  }
0x9e: {  	_ =	swait.ge [sflag:s22], s20  }
0x9f: {  	s4 =	ssub.s32 $0x0, s20;
	[sflag:s22] =	ssyncset.done $0x0  }
0xa0: {  	[sflag:s22] =	ssyncadd.s32 s4;
	_ =	sdelay $0x1  }
0xa1: {  	s23 =	simm.s32 $0x1B8B  }
0xa2: {  	_ =	swait.ge [sflag:s23], $0x1  }
0xa3: {  	[sflag:s23] =	ssyncset.done $0x0  }
0xa4: {  	s25 =	simm.s32 $0x1B8E;
	s24 =	sld [smem:$0x3FFE];
	[sflag:s23] =	ssyncadd.s32 $0xFFFFFFFF  }
0xa5: {  	s26 =	simm.s32 $execute0_lowered;
	[smem:$0x3FD2] =	sst s25  }
0xa6: {  	s5 =	sshll.u32 s26, $0x1;
	_ =	strace $0x80000046;
	[dreg:$0x1] =	wrdreg $0xFFFFFFFF  }
0xa7: {  	s28 =	simm.s32 $_size_execute0_lowered;
	s3 =	sadd.s32 s3, s5;
	[dreg:$0x0] =	wrdreg $0x0  }
0xa8: {  	s5 =	sshll.u32 s28, $0x1;
	[dreg:$0x2] =	wrdreg s3  }
0xa9: {  	[dreg:$0x3] =	wrdreg s5  }
0xaa: {  	[dreg:$0x4] =	wrdreg $0xC0  }
0xab: {  	_ =	task [dreg:s7], $0x5FFFF  }
0xac: {  	[dreg:$0x1] =	wrdreg $0xFFFFFFFF  }
0xad: {  	[dreg:$0x0] =	wrdreg $0x60  }
0xae: {  	[dreg:$0x2] =	wrdreg s2  }
0xaf: {  	[dreg:$0x3] =	wrdreg s24  }
0xb0: {  	[dreg:$0x4] =	wrdreg $0x90000  }
0xb1: {  	[dreg:$0x5] =	wrdreg $0x9  }
0xb2: {  	_ =	task.clear_ibuf [dreg:s7], $0x6FFFF;
	_ =	strace $0x90000046  }
0xb3: {  	s29 =	simm.s32 $0x9;
	_ =	strace $0x80000048  }
0xb4: {  	_ =	swait.ge [sflag:s29], $0x1  }
0xb5: {  	[sflag:s29] =	ssyncadd.s32 $0xFFFFFFFF  }
0xb6: {  	_ =	strace $0x90000048  }
0xb7: {  	_ =	sfence  }
0xb8: {  	s30 =	sld [smem:$0x0];
	_ =	sdelay $0x2  }
0xb9: {  	s31 =	sshll.u32 s1, $0xD;
	s1 =	sshrl.u32 s1, $0x2  }
0xba: {  	s3 =	sand.u32 $0x4000, s31;
	s1 =	sadd.s32 s1, s30  }
0xbb: {  	s0 =	sor.u32 s3, s0;
	s1 =	sshll.u32 s1, $0x11  }
0xbc: {  	s0 =	sor.u32 s1, s0  }
0xbd: {  	s0 =	sadd.s32 $0x8F2B, s0  }
0xbe: {  	[sflag:s0] =	ssyncadd.remote.s32 $0x1  }
0xbf: {  	_ =	sfence.sel $0xFFFF  }
0xc0: {  	[dreg:$0x0] =	wrdreg $0xFFFFFFFF;
	(pc) =	sbr.abs _section_cstart, $3  }
0xc1: {  	[dreg:$0x1] =	wrdreg $0xFFFFFFFF  }
0xc2: {  	_ =	task.clear_ibuf [dreg:s7], $0x2FFFF;
	_ =	strace $0x9FFFFFFF  }
0xc3: {  	(tm) =	ssettm $0x7FFFFFFF  }
tec
execute0_lowered:
.L_overlay_start_1:
0x0: {  	(tag) =	ssettag $0x1  }
0x1: {  	s1 =	rddreg [dreg:$0x0]  }
0x2: {  	s2 =	srdreg.scid;
	s6 =	rddreg [dreg:$0x1]  }
0x3: {  	s0 =	stileid.u32;
	s3 =	rddreg [dreg:$0x2];
	s4 =	simm.s32 $0x0  }
0x4: {  	s14 =	simm.s32 $0x80;
	s15 =	simm.s32 $0x5000;
	s16 =	simm.s32 $0x1  }
0x5: {  	s17 =	simm.s32 $0x0;
	s5 =	sand.u32 $0x1, s2;
	s28 =	sshll.u32 s0, $0x1  }
0x6: {  	s8 =	smul.u32 $0x13C00, s0;
	[smem:$0x7FF] =	sst s4;
	s31 =	sshll.u32 s0, $0x6  }
0x7: {  	s2 =	sor.u32 s5, s28;
	s9 =	smul.u32 $0x13C000, s5;
	s5 =	ssub.s32 $0x2, s5  }
0x8: {  	s7 =	smul.u32 $0x500, s2;
	s2 =	rddreg [dreg:$0x3];
	_ =	strace $0x80000047  }
0x9: {  	s30 =	sshrl.u32 s8, $0x3;
	s11 =	sshrl.u32 s5, $0x1;
	s13 =	sadd.s32 s8, s3  }
0xa: {  	s29 =	sadd.s32 s8, s9;
	s9 =	sadd.s32 s30, s6;
	s11 =	ssub.s32 s5, s11  }
0xb: {  	s10 =	sadd.s32 s7, s6;
	s7 =	sshrl.u32 s29, $0x3;
	s5 =	sadd.s32 $0x16C00, s9  }
0xc: {  	s12 =	sadd.s32 s7, s6;
	s6 =	sor.u32 $0x1C02, s31;
	s7 =	sadd.s32 $0xCC00, s10  }
0xd: {  	s8 =	sadd.s32 $0x2C00, s10;
	s10 =	smax.u32 s11, $0x1;
	s11 =	sshrl.u32 s13, $0x3  }
0xe: {  	s13 =	simm.s32 $0x2800;
	s9 =	sadd.s32 $0x3E400, s12;
	s12 =	simm.s32 $0x2  }
.LBB2_1:
0xf: {  	[spmem:s11], [sflag:s6] =	dma.local [hbm:s5], $0x2780  }
0x10: {  	_ =	swait.ge [sflag:s12], $0x2780  }
0x11: {  	[sflag:s12] =	ssyncset.done $0x0  }
0x12: {  	[sflag:s12] =	ssyncadd.s32 $0xFFFFD880  }
0x13: {  	[tilespmem:s4], [sflag:$0x2] =	stream.linear.gather [hbm4b:s7+s4], $0x2800, $0x38;
	[tilespmem:$0x1CC00] =	vst v63  }
0x14: {  	_ =	swait.ge [sflag:s12], $0x2800  }
0x15: {  	[sflag:s12] =	ssyncset.done $0x0  }
0x16: {  	[sflag:s12] =	ssyncadd.s32 $0xFFFFD800  }
0x17: {  	[tilespmem:s13], [sflag:$0x2] =	stream.linear.gather [hbm4b:s8+s4], $0x2800, $0x38;
	[tilespmem:$0x1CC00] =	vst v63  }
0x18: {  	_ =	swait.ge [sflag:s12], $0x2800  }
0x19: {  	[sflag:s12] =	ssyncset.done $0x0  }
0x1a: {  	[sflag:s12] =	ssyncadd.s32 $0xFFFFD800  }
0x1b: {  	s18 =	simm.s32 $0x0;
	[bflag:$0x0] =	sbarrier.arrive $0xFFFF  }
0x1c: {  	[tilespmem:s15], [sflag:$0x1] =	stream.indirect.gather [hbm4b:s1+s14], $0x80, s18, s14, $0xb8;
	[tilespmem:$0x1CC00] =	vst v63  }
0x1d: {  	_ =	swait.ge [sflag:s16], $0x4000  }
0x1e: {  	[sflag:s16] =	ssyncset.done $0x0  }
0x1f: {  	s31 =	simm.s32 $0x2800;
	[sflag:s16] =	ssyncadd.s32 $0xFFFFC000  }
0x20: {  	[spmem:s3] =	stream.indirect.scatter.add.f32 [tilespmem:s15], [sflag:$0x2], $0x80, s31, s14, $0xb8;
	[tilespmem:$0x1CC00] =	vst v63  }
0x21: {  	_ =	swait.ge [sflag:s12], $0x4000  }
0x22: {  	s19 =	simm.s32 $0x400;
	s18 =	simm.s32 $0x200;
	[sflag:s12] =	ssyncset.done $0x0  }
.LBB2_2:
0x23: {  	s20 =	sshra.s32 s18, $0x2  }
0x24: {  	[sflag:s12] =	ssyncadd.s32 $0xFFFFC000;
	s18 =	smov.u32 s19;
	s21 =	sadd.s32 $0x200, s19  }
0x25: {  	[tilespmem:s15], [sflag:$0x1] =	stream.indirect.gather [hbm4b:s1+s14], $0x80, s20, s14, $0xb8;
	[tilespmem:$0x1CC00] =	vst v63  }
0x26: {  	p0 =	sne.s32 s19, $0x9E00;
	_ =	swait.ge [sflag:s16], $0x4000  }
.Ltmp0:
0x27: {  	[sflag:s16] =	ssyncset.done $0x0;
	(pc) =	sbr.rel @p0 .LBB2_2-.Ltmp0, $4  }
0x28: {  	s19 =	sadd.s32 $0x2800, s20;
	[sflag:s16] =	ssyncadd.s32 $0xFFFFC000  }
0x29: {  	[spmem:s3] =	stream.indirect.scatter.add.f32 [tilespmem:s15], [sflag:$0x2], $0x80, s19, s14, $0xb8;
	[tilespmem:$0x1CC00] =	vst v63  }
0x2a: {  	_ =	swait.ge [sflag:s12], $0x4000  }
0x2b: {  	s19 =	smov.u32 s21;
	[sflag:s12] =	ssyncset.done $0x0  }
0x2c: {  	s18 =	sshra.s32 s18, $0x2;
	[sflag:s12] =	ssyncadd.s32 $0xFFFFC000  }
0x2d: {  	[tilespmem:s15], [sflag:$0x1] =	stream.indirect.gather [hbm4b:s1+s14], $0x80, s18, s14, $0xb8;
	[tilespmem:$0x1CC00] =	vst v63  }
0x2e: {  	_ =	swait.ge [sflag:s16], $0x4000  }
0x2f: {  	[sflag:s16] =	ssyncset.done $0x0  }
0x30: {  	s18 =	sadd.s32 $0x2800, s18;
	[sflag:s16] =	ssyncadd.s32 $0xFFFFC000  }
0x31: {  	[spmem:s3] =	stream.indirect.scatter.add.f32 [tilespmem:s15], [sflag:$0x2], $0x80, s18, s14, $0xb8;
	[tilespmem:$0x1CC00] =	vst v63  }
0x32: {  	_ =	swait.ge [sflag:s12], $0x4000  }
0x33: {  	s17 =	sadd.s32 $0x1, s17;
	[sflag:s12] =	ssyncset.done $0x0  }
0x34: {  	p0 =	sne.s32 s17, s10;
	[sflag:s12] =	ssyncadd.s32 $0xFFFFC000  }
.Ltmp1:
0x35: {  	[bflag:$0x0] =	sbarrier.arrive $0xFFFF;
	(pc) =	sbr.rel @p0 .LBB2_1-.Ltmp1, $4  }
0x36: {  	[hbm:s9], [sflag:s6] =	dma.local [spmem:s11], $0x2780  }
0x37: {  	_ =	swait.ge [sflag:s12], $0x2780  }
0x38: {  	[sflag:s12] =	ssyncset.done $0x0  }
0x39: {  	[sflag:s12] =	ssyncadd.s32 $0xFFFFD880  }
0x3a: {  	_ =	sfence.sel $0x180000  }
0x3b: {  	[bflag:$0x0] =	sbarrier.arrive $0xFFFF  }
0x3c: {  	p0 =	sne.s32 s0, $0x0;
	_ =	strace $0x90000047  }
0x3d: {  	s0 =	sadd.s32 @!p0 $0x100000, s2;
	[bflag:$0x2] =	sbarrier.arrive $0xFFFF  }
0x3e: {  	[sflag:s0] =	ssyncadd.tile.s32 @!p0 $0x1;
	_ =	shalt  }
.Lfunc_end2:
_tile_overlayer_lowered:
.L_overlay_start_2:
0x3f: {  	(tag) =	ssettag $0x2  }
0x40: {  	s0 =	rddreg [dreg:$0x0];
	s2 =	stileid.u32  }
0x41: {  	s1 =	rddreg [dreg:$0x1];
	p0 =	sne.s32 s2, $0x0  }
0x42: {  	s3 =	rddreg [dreg:$0x2];
	[bflag:$0x3] =	sbarrier.arrive $0xFFFF;
	s2 =	simm.s32 @!p0 $0x1C02  }
0x43: {  	[timem:s3], [sflag:s2] =	dma.local @!p0 [hbm:s0], s1  }
0x44: {  	s0 =	simm.s32 @!p0 $0x2  }
0x45: {  	_ =	swait.ge @!p0 [sflag:s0], s1  }
0x46: {  	s1 =	ssub.s32 @!p0 $0x0, s1;
	[sflag:s0] =	ssyncset.done @!p0 $0x0  }
0x47: {  	[sflag:s0] =	ssyncadd.s32 @!p0 s1  }
0x48: {  	[bflag:$0x3] =	sbarrier.arrive $0xFFFF  }
0x49: {  	_ =	shalt  }

// kernel: kernel.9.cloned.1.call-start
scs
__scs_entry_jumppad:
0x0: {  	(pc) =	sbr.rel $0x88, $3  }
0x1: {  	(tag) =	ssettag $0x0;
	lr =	simm.s32 $0x1  }
0x2: {  	[smem:$0x3F8E] =	sst lr;
	_ =	strace $0xD0000000  }
0x3: {  	_ = 	snop  }
0x4: {  	_ = 	snop  }
0x5: {  	_ = 	snop  }
0x6: {  	_ = 	snop  }
0x7: {  	_ = 	snop  }
__scs_overlays_trampoline_lowered:
0x8: {  	[smem:$0x3F9D] =	sst s0  }
0x9: {  	[smem:$0x3F9E] =	sst s1  }
0xa: {  	[smem:$0x3F9F] =	sst s2  }
0xb: {  	[smem:$0x3FA0] =	sst s3  }
0xc: {  	[smem:$0x3FA1] =	sst s4  }
0xd: {  	[smem:$0x3FA2] =	sst s5  }
0xe: {  	[smem:$0x3FA3] =	sst s6  }
0xf: {  	[smem:$0x3FA4] =	sst s7  }
0x10: {  	[smem:$0x3FA5] =	sst s8  }
0x11: {  	[smem:$0x3FA6] =	sst s9;
	s0 =	simm.s32 @!p0 $0x0  }
0x12: {  	s1 =	sld [smem:$0x3F8C];
	s0 =	simm.s32 @p0 $0x1  }
0x13: {  	[smem:$0x3FA7] =	sst s0;
	s0 =	simm.s32 @!p1 $0x0  }
0x14: {  	s2 =	sld [smem:$0x3F8B];
	s0 =	simm.s32 @p1 $0x1  }
0x15: {  	[smem:$0x3FA8] =	sst s0;
	s0 =	simm.s32 @!p2 $0x0  }
0x16: {  	s3 =	sld [smem:$0x3FDB];
	s0 =	simm.s32 @p2 $0x1  }
0x17: {  	s4 =	simm.s32 $0x1BF5;
	[smem:$0x3FAA] =	sst s0  }
0x18: {  	s0 =	sld [smem:$0x3F8D];
	_ =	swait.ge [sflag:s4], $0x0  }
0x19: {  	s7 =	sld [smem:$0x3F8E]  }
0x1a: {  	s8 =	sadd.s32 $0xFFFFE003, lr  }
0x1b: {  	s9 =	sadd.s32 $0xFFFFFEF7, lr;
	s5 =	simm.s32 $0xFFFFFFFF;
	p2 =	slt.u32 s8, $0xFFFFF086  }
0x1c: {  	p1 =	slt.u32 s9, $0xF7A;
	s5 =	simm.s32 @!p2 $0x0  }
0x1d: {  	s5 =	simm.s32 @p1 $0x1;
	p0 =	seq.s32 s7, s2  }
0x1e: {  	s7 =	smul.u32 @!p0 $0xF7A, s2;
	p2 =	seq.s32 @!p0 s5, $0x0  }
0x1f: {  	s9 =	smul.u32 $0xF7A, s1;
	s8 =	simm.s32 @!p0 $0x1BF5;
	p2 =	por !p2, p0  }
0x20: {  	[sflag:s8] =	ssyncset.s32 @!p0 $0xFFFFF086;
	s6 =	sadd.s32 @!p0 s3, s7;
	s7 =	simm.s32 @!p0 $0x108  }
0x21: {  	s3 =	sadd.s32 s3, s9;
	s6 =	sadd.s32 @!p0 $0x88, s6;
	s7 =	simm.s32 @p2 $0x1082  }
0x22: {  	[simem:s7], [sflag:s8] =	dma.local @!p0 [hbm:s6], $0xF7A  }
0x23: {  	s9 =	sor.u32 $0xD0000000, s2;
	s6 =	simm.s32 $0x108;
	_ =	swait.ge @!p0 [sflag:s8], $0x0  }
0x24: {  	s3 =	sadd.s32 $0x88, s3;
	s6 =	simm.s32 @!p1 $0x1082;
	[sflag:s4] =	ssyncset.s32 $0xFFFFF086  }
0x25: {  	[simem:s6], [sflag:s4] =	dma.local [hbm:s3], $0xF7A  }
0x26: {  	[smem:$0x3F8E] =	sst s1;
	(tag) =	ssettag s2;
	_ =	strace s9  }
0x27: {  	s1 =	sld [smem:$0x3F9E]  }
0x28: {  	s2 =	sld [smem:$0x3F9F]  }
0x29: {  	s4 =	sld [smem:$0x3FA1]  }
0x2a: {  	p0 =	seq.s32 s5, $0x0;
	s5 =	sld [smem:$0x3FA2]  }
0x2b: {  	s6 =	sld [smem:$0x3FA3]  }
0x2c: {  	s7 =	sld [smem:$0x3FA4]  }
0x2d: {  	s3 =	simm.s32 $0x108;
	s8 =	sld [smem:$0x3FA5]  }
0x2e: {  	s3 =	simm.s32 @!p0 $0x1082;
	s9 =	sld [smem:$0x3FA6]  }
0x2f: {  	lr =	sadd.s32 s0, s3;
	s0 =	sld [smem:$0x3F9D]  }
0x30: {  	s3 =	sld [smem:$0x3FA0]  }
0x31: {  	[smem:$0x3FA9] =	sst s10  }
0x32: {  	s10 =	sld [smem:$0x3FA7];
	_ =	sdelay $0x3  }
0x33: {  	p0 =	seq.s32 s10, $0x1;
	s10 =	sld [smem:$0x3FA9];
	_ =	sdelay $0x3  }
0x34: {  	[smem:$0x3FA9] =	sst s10  }
0x35: {  	s10 =	sld [smem:$0x3FA8];
	_ =	sdelay $0x3  }
0x36: {  	p1 =	seq.s32 s10, $0x1;
	s10 =	sld [smem:$0x3FA9];
	_ =	sdelay $0x3  }
0x37: {  	[smem:$0x3FA9] =	sst s10  }
0x38: {  	s10 =	sld [smem:$0x3FAA]  }
0x39: {  	_ = 	snop;
	(pc) =	sbr.ind lr, $3  }
0x3a: {  	_ = 	snop  }
0x3b: {  	_ = 	snop  }
0x3c: {  	p2 =	seq.s32 s10, $0x1;
	s10 =	sld [smem:$0x3FA9]  }
0x3d: {  	_ =	shalt  }
0x3e: {  	_ =	shalt  }
0x3f: {  	_ =	shalt  }
0x40: {  	_ =	shalt  }
0x41: {  	_ =	shalt  }
0x42: {  	_ =	shalt  }
0x43: {  	_ =	shalt  }
0x44: {  	_ =	shalt  }
0x45: {  	_ =	shalt  }
0x46: {  	_ =	shalt  }
0x47: {  	_ =	shalt  }
0x48: {  	_ =	shalt  }
0x49: {  	_ =	shalt  }
0x4a: {  	_ =	shalt  }
0x4b: {  	_ =	shalt  }
0x4c: {  	_ =	shalt  }
0x4d: {  	_ =	shalt  }
0x4e: {  	_ =	shalt  }
0x4f: {  	_ =	shalt  }
0x50: {  	_ =	shalt  }
0x51: {  	_ =	shalt  }
0x52: {  	_ =	shalt  }
0x53: {  	_ =	shalt  }
0x54: {  	_ =	shalt  }
0x55: {  	_ =	shalt  }
0x56: {  	_ =	shalt  }
0x57: {  	_ =	shalt  }
0x58: {  	_ =	shalt  }
0x59: {  	_ =	shalt  }
0x5a: {  	_ =	shalt  }
0x5b: {  	_ =	shalt  }
0x5c: {  	_ =	shalt  }
0x5d: {  	_ =	shalt  }
0x5e: {  	_ =	shalt  }
0x5f: {  	_ =	shalt  }
0x60: {  	_ =	shalt  }
0x61: {  	_ =	shalt  }
0x62: {  	_ =	shalt  }
0x63: {  	_ =	shalt  }
0x64: {  	_ =	shalt  }
0x65: {  	_ =	shalt  }
0x66: {  	_ =	shalt  }
0x67: {  	_ =	shalt  }
0x68: {  	_ =	shalt  }
0x69: {  	_ =	shalt  }
0x6a: {  	_ =	shalt  }
0x6b: {  	_ =	shalt  }
0x6c: {  	_ =	shalt  }
0x6d: {  	_ =	shalt  }
0x6e: {  	_ =	shalt  }
0x6f: {  	_ =	shalt  }
0x70: {  	_ =	shalt  }
0x71: {  	_ =	shalt  }
0x72: {  	_ =	shalt  }
0x73: {  	_ =	shalt  }
0x74: {  	_ =	shalt  }
0x75: {  	_ =	shalt  }
0x76: {  	_ =	shalt  }
0x77: {  	_ =	shalt  }
0x78: {  	_ =	shalt  }
0x79: {  	_ =	shalt  }
0x7a: {  	_ =	shalt  }
0x7b: {  	_ =	shalt  }
0x7c: {  	_ =	shalt  }
0x7d: {  	_ =	shalt  }
0x7e: {  	_ =	shalt  }
0x7f: {  	_ =	shalt  }
0x80: {  	_ =	shalt  }
0x81: {  	_ =	shalt  }
0x82: {  	_ =	shalt  }
0x83: {  	_ =	shalt  }
0x84: {  	_ =	shalt  }
0x85: {  	_ =	shalt  }
0x86: {  	_ =	shalt  }
0x87: {  	_ =	shalt  }
.Lfunc_end0:
.L_simem_size_0:
called_computation.1_lowered:
.L_overlay_start_0:
0x88: {  	s2 =	sld [smem:$0x3FD9]  }
0x89: {  	s3 =	sld [smem:$0x3FFE];
	_ =	sdelay $0x1  }
0x8a: {  	s1 =	srdreg.scid  }
0x8b: {  	s0 =	sand.u32 $0x1, s1  }
0x8c: {  	s16 =	sshll.u32 s0, $0xA;
	s2 =	sadd.s32 s3, s2  }
0x8d: {  	s2 =	sadd.s32 s2, s16  }
0x8e: {  	[smem:$0x3FB5] =	sst s2  }
0x8f: {  	_ = 	snop  }
0x90: {  	(tm) =	ssettm $0x1  }
0x91: {  	s17 =	sld [smem:$0x3FFB];
	_ =	sdelay $0x3  }
0x92: {  	_ =	strace s17  }
0x93: {  	s2 =	sld [smem:$0x3FFC];
	_ =	sdelay $0x3  }
0x94: {  	_ =	strace s2  }
0x95: {  	s2 =	sld [smem:$0x3FFD];
	_ =	sdelay $0x3  }
0x96: {  	_ =	strace s2  }
0x97: {  	_ =	strace $0x8FFFFFFF  }
0x98: {  	s18 =	sld [smem:$0x3FDB];
	_ =	sdelay $0x1  }
0x99: {  	s19 =	simm.s32 $_scs_section_size  }
0x9a: {  	s4 =	simm.s32 $_size__tile_overlayer_lowered;
	s5 =	simm.s32 $_tile_overlayer_lowered  }
0x9b: {  	s22 =	simm.s32 $0x1BFF;
	s21 =	sshll.u32 s5, $0x1;
	s2 =	sadd.s32 s19, s18  }
0x9c: {  	s6 =	simm.s32 $0x0;
	s20 =	sshll.u32 s4, $0x1;
	s4 =	sadd.s32 s21, s2  }
0x9d: {  	[timem:s6], [sflag:s22] =	dma.local [hbm:s4], s20  }
0x9e: {  	_ =	swait.ge [sflag:s22], s20  }
0x9f: {  	s3 =	ssub.s32 $0x0, s20;
	[sflag:s22] =	ssyncset.done $0x0  }
0xa0: {  	[sflag:s22] =	ssyncadd.s32 s3;
	_ =	sdelay $0x1  }
0xa1: {  	s23 =	simm.s32 $0x1B8B  }
0xa2: {  	_ =	swait.ge [sflag:s23], $0x1  }
0xa3: {  	[sflag:s23] =	ssyncset.done $0x0  }
0xa4: {  	s25 =	simm.s32 $0x1B8E;
	s24 =	sld [smem:$0x3FFE];
	[sflag:s23] =	ssyncadd.s32 $0xFFFFFFFF  }
0xa5: {  	s26 =	simm.s32 $execute0_lowered;
	[smem:$0x3FD2] =	sst s25  }
0xa6: {  	s4 =	sshll.u32 s26, $0x1;
	_ =	strace $0x80000049;
	[dreg:$0x1] =	wrdreg $0xFFFFFFFF  }
0xa7: {  	s28 =	simm.s32 $_size_execute0_lowered;
	s2 =	sadd.s32 s2, s4;
	[dreg:$0x0] =	wrdreg $0x0  }
0xa8: {  	s4 =	sshll.u32 s28, $0x1;
	[dreg:$0x2] =	wrdreg s2  }
0xa9: {  	[dreg:$0x3] =	wrdreg s4  }
0xaa: {  	[dreg:$0x4] =	wrdreg $0xC0  }
0xab: {  	_ =	task [dreg:s6], $0x5FFFF  }
0xac: {  	[dreg:$0x1] =	wrdreg $0xFFFFFFFF  }
0xad: {  	[dreg:$0x0] =	wrdreg $0x60  }
0xae: {  	[dreg:$0x2] =	wrdreg s24  }
0xaf: {  	[dreg:$0x3] =	wrdreg $0x60000  }
0xb0: {  	[dreg:$0x4] =	wrdreg $0x9  }
0xb1: {  	_ =	task.clear_ibuf [dreg:s6], $0x5FFFF;
	_ =	strace $0x90000049  }
0xb2: {  	s29 =	simm.s32 $0x9;
	_ =	strace $0x8000004B  }
0xb3: {  	_ =	swait.ge [sflag:s29], $0x1  }
0xb4: {  	[sflag:s29] =	ssyncadd.s32 $0xFFFFFFFF  }
0xb5: {  	_ =	strace $0x9000004B  }
0xb6: {  	_ =	sfence  }
0xb7: {  	s30 =	sld [smem:$0x0];
	_ =	sdelay $0x2  }
0xb8: {  	s31 =	sshll.u32 s1, $0xD;
	s1 =	sshrl.u32 s1, $0x2  }
0xb9: {  	s3 =	sand.u32 $0x4000, s31;
	s1 =	sadd.s32 s1, s30  }
0xba: {  	s0 =	sor.u32 s3, s0;
	s1 =	sshll.u32 s1, $0x11  }
0xbb: {  	s0 =	sor.u32 s1, s0  }
0xbc: {  	s0 =	sadd.s32 $0x8F2B, s0  }
0xbd: {  	[sflag:s0] =	ssyncadd.remote.s32 $0x1  }
0xbe: {  	_ =	sfence.sel $0xFFFF  }
0xbf: {  	[dreg:$0x0] =	wrdreg $0xFFFFFFFF;
	(pc) =	sbr.abs _section_cstart, $3  }
0xc0: {  	[dreg:$0x1] =	wrdreg $0xFFFFFFFF  }
0xc1: {  	_ =	task.clear_ibuf [dreg:s6], $0x2FFFF;
	_ =	strace $0x9FFFFFFF  }
0xc2: {  	(tm) =	ssettm $0x7FFFFFFF  }
0xc3: {  	_ =	shalt  }
tec
execute0_lowered:
.L_overlay_start_1:
0x0: {  	(tag) =	ssettag $0x1  }
0x1: {  	s1 =	srdreg.scid  }
0x2: {  	s0 =	stileid.u32;
	s6 =	rddreg [dreg:$0x0]  }
0x3: {  	s2 =	rddreg [dreg:$0x1];
	s3 =	simm.s32 $0x0;
	s14 =	simm.s32 $0x80  }
0x4: {  	s15 =	simm.s32 $0x5000;
	s16 =	simm.s32 $0x1;
	s17 =	simm.s32 $0x0  }
0x5: {  	s5 =	sand.u32 $0x1, s1;
	s28 =	sshll.u32 s0, $0x1;
	s8 =	smul.u32 $0x4F00, s0  }
0x6: {  	[smem:$0x7FF] =	sst s3;
	s4 =	sadd.s32 $0x16C00, s6;
	s31 =	sshll.u32 s0, $0x6  }
0x7: {  	s1 =	sor.u32 s5, s28;
	s9 =	smul.u32 $0x4F000, s5;
	s5 =	ssub.s32 $0x2, s5  }
0x8: {  	s7 =	smul.u32 $0x500, s1;
	s1 =	rddreg [dreg:$0x2];
	_ =	strace $0x8000004A  }
0x9: {  	s30 =	sshrl.u32 s8, $0x3;
	s11 =	sshrl.u32 s5, $0x1;
	s13 =	sadd.s32 s8, s2  }
0xa: {  	s29 =	sadd.s32 s8, s9;
	s9 =	sadd.s32 s30, s6;
	s11 =	ssub.s32 s5, s11  }
0xb: {  	s10 =	sadd.s32 s7, s6;
	s7 =	sshrl.u32 s29, $0x3;
	s5 =	sadd.s32 $0x20A00, s9  }
0xc: {  	s12 =	sadd.s32 s7, s6;
	s6 =	sor.u32 $0x1C02, s31;
	s7 =	sadd.s32 $0xCC00, s10  }
0xd: {  	s8 =	sadd.s32 $0x2C00, s10;
	s10 =	smax.u32 s11, $0x1;
	s11 =	sshrl.u32 s13, $0x3  }
0xe: {  	s13 =	simm.s32 $0x2800;
	s9 =	sadd.s32 $0x2A800, s12;
	s12 =	simm.s32 $0x2  }
.LBB2_1:
0xf: {  	[spmem:s11], [sflag:s6] =	dma.local [hbm:s5], $0x9E0  }
0x10: {  	_ =	swait.ge [sflag:s12], $0x9E0  }
0x11: {  	[sflag:s12] =	ssyncset.done $0x0  }
0x12: {  	[sflag:s12] =	ssyncadd.s32 $0xFFFFF620  }
0x13: {  	[tilespmem:s3], [sflag:$0x2] =	stream.linear.gather [hbm4b:s7+s3], $0x2800, $0x38;
	[tilespmem:$0xAF00] =	vst v63  }
0x14: {  	_ =	swait.ge [sflag:s12], $0x2800  }
0x15: {  	[sflag:s12] =	ssyncset.done $0x0  }
0x16: {  	[sflag:s12] =	ssyncadd.s32 $0xFFFFD800  }
0x17: {  	[tilespmem:s13], [sflag:$0x2] =	stream.linear.gather [hbm4b:s8+s3], $0x2800, $0x38;
	[tilespmem:$0xAF00] =	vst v63  }
0x18: {  	_ =	swait.ge [sflag:s12], $0x2800  }
0x19: {  	[sflag:s12] =	ssyncset.done $0x0  }
0x1a: {  	[sflag:s12] =	ssyncadd.s32 $0xFFFFD800  }
0x1b: {  	s18 =	simm.s32 $0x0;
	[bflag:$0x0] =	sbarrier.arrive $0xFFFF  }
0x1c: {  	[tilespmem:s15], [sflag:$0x1] =	stream.indirect.gather [hbm4b:s4+s14], $0x20, s18, s14, $0xb8;
	[tilespmem:$0xAF00] =	vst v63  }
0x1d: {  	_ =	swait.ge [sflag:s16], $0x1000  }
0x1e: {  	[sflag:s16] =	ssyncset.done $0x0  }
0x1f: {  	s31 =	simm.s32 $0x2800;
	[sflag:s16] =	ssyncadd.s32 $0xFFFFF000  }
0x20: {  	[spmem:s2] =	stream.indirect.scatter.add.f32 [tilespmem:s15], [sflag:$0x2], $0x20, s31, s14, $0xb8;
	[tilespmem:$0xAF00] =	vst v63  }
0x21: {  	_ =	swait.ge [sflag:s12], $0x1000  }
0x22: {  	s19 =	simm.s32 $0x400;
	s18 =	simm.s32 $0x200;
	[sflag:s12] =	ssyncset.done $0x0  }
.LBB2_2:
0x23: {  	s20 =	sshra.s32 s18, $0x2  }
0x24: {  	[sflag:s12] =	ssyncadd.s32 $0xFFFFF000;
	s18 =	smov.u32 s19;
	s21 =	sadd.s32 $0x200, s19  }
0x25: {  	[tilespmem:s15], [sflag:$0x1] =	stream.indirect.gather [hbm4b:s4+s14], $0x20, s20, s14, $0xb8;
	[tilespmem:$0xAF00] =	vst v63  }
0x26: {  	p0 =	sne.s32 s19, $0x9E00;
	_ =	swait.ge [sflag:s16], $0x1000  }
.Ltmp0:
0x27: {  	[sflag:s16] =	ssyncset.done $0x0;
	(pc) =	sbr.rel @p0 .LBB2_2-.Ltmp0, $4  }
0x28: {  	s19 =	sadd.s32 $0x2800, s20;
	[sflag:s16] =	ssyncadd.s32 $0xFFFFF000  }
0x29: {  	[spmem:s2] =	stream.indirect.scatter.add.f32 [tilespmem:s15], [sflag:$0x2], $0x20, s19, s14, $0xb8;
	[tilespmem:$0xAF00] =	vst v63  }
0x2a: {  	_ =	swait.ge [sflag:s12], $0x1000  }
0x2b: {  	s19 =	smov.u32 s21;
	[sflag:s12] =	ssyncset.done $0x0  }
0x2c: {  	s18 =	sshra.s32 s18, $0x2;
	[sflag:s12] =	ssyncadd.s32 $0xFFFFF000  }
0x2d: {  	[tilespmem:s15], [sflag:$0x1] =	stream.indirect.gather [hbm4b:s4+s14], $0x20, s18, s14, $0xb8;
	[tilespmem:$0xAF00] =	vst v63  }
0x2e: {  	_ =	swait.ge [sflag:s16], $0x1000  }
0x2f: {  	[sflag:s16] =	ssyncset.done $0x0  }
0x30: {  	s18 =	sadd.s32 $0x2800, s18;
	[sflag:s16] =	ssyncadd.s32 $0xFFFFF000  }
0x31: {  	[spmem:s2] =	stream.indirect.scatter.add.f32 [tilespmem:s15], [sflag:$0x2], $0x20, s18, s14, $0xb8;
	[tilespmem:$0xAF00] =	vst v63  }
0x32: {  	_ =	swait.ge [sflag:s12], $0x1000  }
0x33: {  	s17 =	sadd.s32 $0x1, s17;
	[sflag:s12] =	ssyncset.done $0x0  }
0x34: {  	p0 =	sne.s32 s17, s10;
	[sflag:s12] =	ssyncadd.s32 $0xFFFFF000  }
.Ltmp1:
0x35: {  	[bflag:$0x0] =	sbarrier.arrive $0xFFFF;
	(pc) =	sbr.rel @p0 .LBB2_1-.Ltmp1, $4  }
0x36: {  	[hbm:s9], [sflag:s6] =	dma.local [spmem:s11], $0x9E0  }
0x37: {  	_ =	swait.ge [sflag:s12], $0x9E0  }
0x38: {  	[sflag:s12] =	ssyncset.done $0x0  }
0x39: {  	[sflag:s12] =	ssyncadd.s32 $0xFFFFF620  }
0x3a: {  	_ =	sfence.sel $0x180000  }
0x3b: {  	[bflag:$0x0] =	sbarrier.arrive $0xFFFF  }
0x3c: {  	p0 =	sne.s32 s0, $0x0;
	_ =	strace $0x9000004A  }
0x3d: {  	s0 =	sadd.s32 @!p0 $0x100000, s1;
	[bflag:$0x2] =	sbarrier.arrive $0xFFFF  }
0x3e: {  	[sflag:s0] =	ssyncadd.tile.s32 @!p0 $0x1;
	_ =	shalt  }
.Lfunc_end2:
_tile_overlayer_lowered:
.L_overlay_start_2:
0x3f: {  	(tag) =	ssettag $0x2  }
0x40: {  	s0 =	rddreg [dreg:$0x0];
	s2 =	stileid.u32  }
0x41: {  	s1 =	rddreg [dreg:$0x1];
	p0 =	sne.s32 s2, $0x0  }
0x42: {  	s3 =	rddreg [dreg:$0x2];
	[bflag:$0x3] =	sbarrier.arrive $0xFFFF;
	s2 =	simm.s32 @!p0 $0x1C02  }
0x43: {  	[timem:s3], [sflag:s2] =	dma.local @!p0 [hbm:s0], s1  }
0x44: {  	s0 =	simm.s32 @!p0 $0x2  }
0x45: {  	_ =	swait.ge @!p0 [sflag:s0], s1  }
0x46: {  	s1 =	ssub.s32 @!p0 $0x0, s1;
	[sflag:s0] =	ssyncset.done @!p0 $0x0  }
0x47: {  	[sflag:s0] =	ssyncadd.s32 @!p0 s1  }
0x48: {  	[bflag:$0x3] =	sbarrier.arrive $0xFFFF  }
0x49: {  	_ =	shalt  }

</sc_bundles>
